<compile_context>
chip_gen: v7x
topology: tpu7x:2x2x1
jax: 0.10.2.dev20260603
libtpu: 0.0.44.dev20260713+nightly
codegen_flags: <defaults>
</compile_context>

<pallas_src>
import functools

import jax
import jax.numpy as jnp
from jax import lax
from jax.experimental import pallas as pl
from jax.experimental.pallas import tpu as pltpu
from jax.experimental.pallas import tpu_sc as plsc

VOCAB = 100000
EMBED_DIM = 16
BATCH = 16384

_NC = 2
_NS = 16
_NW = _NC * _NS
_LANES = 16

_ILIM = 128
_B_PER_W = BATCH // _NW
_IROWS = _B_PER_W // _ILIM
_STRIDE = VOCAB + 1
_TOTAL = EMBED_DIM * _STRIDE
_OFF = [(d * _STRIDE + 1) // 8 * 8 for d in range(EMBED_DIM)]
_SHIFT = [(d * _STRIDE + 1) % 8 for d in range(EMBED_DIM)]
_LEN = [min(VOCAB + 8, _TOTAL - o) for o in _OFF]
_DHALF = EMBED_DIM // 2


def _lookup_kernel(idx_hbm, tab_hbm, out_hbm, idx_v, dst_v, sem_lo, sem_hi):
    wid = lax.axis_index("s") * _NC + lax.axis_index("c")
    base = wid * _B_PER_W

    pltpu.sync_copy(idx_hbm.at[pl.ds(base, _B_PER_W)], idx_v.at[0])

    def fire(d):
        sem = sem_lo if d < _DHALF else sem_hi
        pltpu.async_copy(
            tab_hbm.at[pl.ds(_OFF[d], _LEN[d])].at[idx_v.at[_SHIFT[d]]],
            dst_v.at[d], sem)

    def make_row(r):
        def body(i, carry):
            sl = pl.ds(i * _LANES, _LANES)
            idx_v[r, sl] = idx_v[0, sl] + r
            return carry

        lax.fori_loop(0, _B_PER_W // _LANES, body, 0)

    by_shift = {}
    for d in range(EMBED_DIM):
        by_shift.setdefault(_SHIFT[d], []).append(d)
    for d in by_shift.get(0, ()):
        fire(d)
    for r in range(1, 8):
        make_row(r)
        for d in by_shift.get(r, ()):
            fire(d)

    pltpu.make_async_copy(out_hbm.at[pl.ds(0, _DHALF), pl.ds(0, _B_PER_W)],
                          dst_v.at[pl.ds(0, _DHALF)], sem_lo).wait()
    pltpu.sync_copy(dst_v.at[pl.ds(0, _DHALF)],
                    out_hbm.at[pl.ds(0, _DHALF), pl.ds(base, _B_PER_W)])
    pltpu.make_async_copy(out_hbm.at[pl.ds(0, _DHALF), pl.ds(0, _B_PER_W)],
                          dst_v.at[pl.ds(_DHALF, _DHALF)], sem_hi).wait()
    pltpu.sync_copy(dst_v.at[pl.ds(_DHALF, _DHALF)],
                    out_hbm.at[pl.ds(_DHALF, _DHALF), pl.ds(base, _B_PER_W)])


def kernel(user, table):
    mesh = plsc.VectorSubcoreMesh(core_axis_name="c", subcore_axis_name="s")
    run = functools.partial(
        pl.kernel,
        mesh=mesh,
        compiler_params=pltpu.CompilerParams(
            use_tc_tiling_on_sc=False,
            disable_bounds_checks=True,
            disable_semaphore_checks=True,
        ),
        out_type=jax.ShapeDtypeStruct((EMBED_DIM, BATCH), jnp.float32),
        scratch_types=[
            pltpu.VMEM((8, _B_PER_W), jnp.int32),
            pltpu.VMEM((EMBED_DIM, _B_PER_W), jnp.float32),
            pltpu.SemaphoreType.DMA,
            pltpu.SemaphoreType.DMA,
        ],
    )(_lookup_kernel)
    tab_flat = table.T.reshape(-1)
    out_t = run(user.astype(jnp.int32), tab_flat)
    return out_t.T

# --- scband reference (transcript-rebuilt; emitter-appended) ---
"""Pipeline reference for scband-user-model-87299505258886 (READ-ONLY COPY).

The authoritative reference and input builder live on the scoring server;
editing this copy changes nothing except your own understanding.
"""

import jax, jax.numpy as jnp
import numpy as np

VOCAB = 100000
EMBED_DIM = 16
BATCH = 16384

def setup_inputs(seed: int = 0) -> dict:
    key = jax.random.key(seed)
    k_idx, k_tab = jax.random.split(key)
    user = jax.random.randint(k_idx, (BATCH,), 0, VOCAB, dtype=jnp.int64) if jax.config.jax_enable_x64 else jax.random.randint(k_idx, (BATCH,), 0, VOCAB, dtype=jnp.int32)
    # Embedding table sized (vocab + 1, dim): index 0 is the OOV slot created by IntegerLookup
    table = jax.random.normal(k_tab, (VOCAB + 1, EMBED_DIM), dtype=jnp.float32) * 0.05
    return {"user": user, "table": table}

def reference(user, table):
    # Faithful to tf.keras.layers.IntegerLookup(vocabulary=arange(VOCAB), mask_token=None):
    # in-vocab id v -> index v+1 ; out-of-vocab -> OOV index 0
    in_vocab = (user >= 0) & (user < VOCAB)
    lookup_idx = jnp.where(in_vocab, user + 1, 0)
    # Embedding(VOCAB + 1, EMBED_DIM) gather
    out = jnp.take(table, lookup_idx, axis=0)
    return out

if __name__ == "__main__":
    import jax
    _d = setup_inputs()
    print(jax.jit(kernel)(*tuple(_d.values())))

</pallas_src>

<mosaic_0001>
#map = affine_map<(d0, d1) -> (0)>
#map1 = affine_map<(d0, d1) -> (0, 0)>
module attributes {stable_mosaic.version = 14 : i64} {
  func.func @_lookup_kernel(%arg0: i32, %arg1: i32, %arg2: memref<16384xi32, #tpu.memory_space<hbm>>, %arg3: memref<1600016xf32, #tpu.memory_space<hbm>>, %arg4: memref<16x16384xf32, #tpu.memory_space<hbm>>, %arg5: memref<8x512xi32, #tpu.memory_space<vmem>>, %arg6: memref<16x512xf32, #tpu.memory_space<vmem>>, %arg7: memref<!tpu.dma_semaphore, #tpu.memory_space<semaphore_mem>>, %arg8: memref<!tpu.dma_semaphore, #tpu.memory_space<semaphore_mem>>) attributes {dimension_semantics = [#tpu.dimension_semantics<core_parallel>, #tpu.dimension_semantics<subcore_parallel>], iteration_bounds = array<i64: 2, 16>, scalar_prefetch = 0 : i64, scratch_operands = 4 : i64, tpu.core_type = #tpu.core_type<sc_vector_subcore>, window_params = [{transform_indices = #map}, {transform_indices = #map}, {transform_indices = #map1}]} {
    %mul3A = arith.constant 2 : i32
    %mul3A_0 = arith.muli %arg1, %mul3A : i32
    %add3A = arith.addi %mul3A_0, %arg0 : i32
    %mul3A_1 = arith.constant 512 : i32
    %mul3A_2 = arith.muli %add3A, %mul3A_1 : i32
    %run_scoped3A = arith.constant 0 : i32
    "tpu.region"() ({
      %run_scoped3A_258 = tpu.sem_alloc : memref<!tpu.dma_semaphore, #tpu.memory_space<semaphore_mem>>
      %dma_start3A_259 = arith.constant 0 : i32
      %dma_start3A_260 = tpu.memref_slice %arg5[%run_scoped3A, %dma_start3A_259] : memref<8x512xi32, #tpu.memory_space<vmem>> -> memref<1x512xi32, #tpu.memory_space<vmem>>
      %dma_start3A_261 = tpu.memref_squeeze %dma_start3A_260 : memref<1x512xi32, #tpu.memory_space<vmem>> -> memref<512xi32, #tpu.memory_space<vmem>>
      %dma_start3A_262 = tpu.memref_slice %arg2[%mul3A_2] : memref<16384xi32, #tpu.memory_space<hbm>> -> memref<512xi32, #tpu.memory_space<hbm>>
      %dma_start3A_263 = arith.constant 0 : i32
      %dma_start3A_264 = tpu.memref_slice %arg5[%run_scoped3A, %dma_start3A_263] : memref<8x512xi32, #tpu.memory_space<vmem>> -> memref<1x512xi32, #tpu.memory_space<vmem>>
      %dma_start3A_265 = tpu.memref_squeeze %dma_start3A_264 : memref<1x512xi32, #tpu.memory_space<vmem>> -> memref<512xi32, #tpu.memory_space<vmem>>
      %dma_start3A_266 = tpu.memref_slice %arg2[%mul3A_2] : memref<16384xi32, #tpu.memory_space<hbm>> -> memref<512xi32, #tpu.memory_space<hbm>>
      tpu.enqueue_dma source(%dma_start3A_266 : memref<512xi32, #tpu.memory_space<hbm>>) target(%dma_start3A_265 : memref<512xi32, #tpu.memory_space<vmem>>) target_semaphore(%run_scoped3A_258 : memref<!tpu.dma_semaphore, #tpu.memory_space<semaphore_mem>>)
      %dma_wait3A_267 = arith.constant 0 : i32
      %dma_wait3A_268 = tpu.memref_slice %arg5[%run_scoped3A, %dma_wait3A_267] : memref<8x512xi32, #tpu.memory_space<vmem>> -> memref<1x512xi32, #tpu.memory_space<vmem>>
      %dma_wait3A_269 = tpu.memref_squeeze %dma_wait3A_268 : memref<1x512xi32, #tpu.memory_space<vmem>> -> memref<512xi32, #tpu.memory_space<vmem>>
      %dma_wait3A_270 = tpu.memref_slice %arg2[%mul3A_2] : memref<16384xi32, #tpu.memory_space<hbm>> -> memref<512xi32, #tpu.memory_space<hbm>>
      %dma_wait3A_271 = arith.constant 0 : i32
      %dma_wait3A_272 = tpu.memref_slice %arg5[%run_scoped3A, %dma_wait3A_271] : memref<8x512xi32, #tpu.memory_space<vmem>> -> memref<1x512xi32, #tpu.memory_space<vmem>>
      %dma_wait3A_273 = tpu.memref_squeeze %dma_wait3A_272 : memref<1x512xi32, #tpu.memory_space<vmem>> -> memref<512xi32, #tpu.memory_space<vmem>>
      %dma_wait3A_274 = tpu.memref_slice %arg2[%mul3A_2] : memref<16384xi32, #tpu.memory_space<hbm>> -> memref<512xi32, #tpu.memory_space<hbm>>
      tpu.wait_dma2 semaphore(%run_scoped3A_258 : memref<!tpu.dma_semaphore, #tpu.memory_space<semaphore_mem>>) src(%dma_wait3A_274 : memref<512xi32, #tpu.memory_space<hbm>>) dst(%dma_wait3A_273 : memref<512xi32, #tpu.memory_space<vmem>>)
      tpu.yield
    }) : () -> ()
    %dma_start3A = arith.constant 0 : i32
    %dma_start3A_3 = arith.constant 7 : i32
    %dma_start3A_4 = arith.constant 0 : i32
    %dma_start3A_5 = tpu.memref_slice %arg6[%dma_start3A_3, %dma_start3A_4] : memref<16x512xf32, #tpu.memory_space<vmem>> -> memref<1x512xf32, #tpu.memory_space<vmem>>
    %dma_start3A_6 = tpu.memref_squeeze %dma_start3A_5 : memref<1x512xf32, #tpu.memory_space<vmem>> -> memref<512xf32, #tpu.memory_space<vmem>>
    %dma_start3A_7 = arith.constant 0 : i32
    %dma_start3A_8 = tpu.memref_slice %arg5[%dma_start3A, %dma_start3A_7] : memref<8x512xi32, #tpu.memory_space<vmem>> -> memref<1x512xi32, #tpu.memory_space<vmem>>
    %dma_start3A_9 = tpu.memref_squeeze %dma_start3A_8 : memref<1x512xi32, #tpu.memory_space<vmem>> -> memref<512xi32, #tpu.memory_space<vmem>>
    %dma_start3A_10 = arith.constant 700008 : i32
    %dma_start3A_11 = tpu.memref_slice %arg3[%dma_start3A_10] : memref<1600016xf32, #tpu.memory_space<hbm>> -> memref<100008xf32, #tpu.memory_space<hbm>>
    %dma_start3A_12 = arith.constant 0 : i32
    %dma_start3A_13 = tpu.memref_slice %dma_start3A_11[%dma_start3A_12] : memref<100008xf32, #tpu.memory_space<hbm>> -> memref<100008xf32, #tpu.memory_space<hbm>>
    tpu.enqueue_indirect_dma source(%dma_start3A_13 : memref<100008xf32, #tpu.memory_space<hbm>>) target(%dma_start3A_6 : memref<512xf32, #tpu.memory_space<vmem>>) offsets(%dma_start3A_9 : memref<512xi32, #tpu.memory_space<vmem>>) semaphore(%arg7 : memref<!tpu.dma_semaphore, #tpu.memory_space<semaphore_mem>>)
    %dma_start3A_14 = arith.constant 0 : i32
    %dma_start3A_15 = arith.constant 15 : i32
    %dma_start3A_16 = arith.constant 0 : i32
    %dma_start3A_17 = tpu.memref_slice %arg6[%dma_start3A_15, %dma_start3A_16] : memref<16x512xf32, #tpu.memory_space<vmem>> -> memref<1x512xf32, #tpu.memory_space<vmem>>
    %dma_start3A_18 = tpu.memref_squeeze %dma_start3A_17 : memref<1x512xf32, #tpu.memory_space<vmem>> -> memref<512xf32, #tpu.memory_space<vmem>>
    %dma_start3A_19 = arith.constant 0 : i32
    %dma_start3A_20 = tpu.memref_slice %arg5[%dma_start3A_14, %dma_start3A_19] : memref<8x512xi32, #tpu.memory_space<vmem>> -> memref<1x512xi32, #tpu.memory_space<vmem>>
    %dma_start3A_21 = tpu.memref_squeeze %dma_start3A_20 : memref<1x512xi32, #tpu.memory_space<vmem>> -> memref<512xi32, #tpu.memory_space<vmem>>
    %dma_start3A_22 = arith.constant 1500016 : i32
    %dma_start3A_23 = tpu.memref_slice %arg3[%dma_start3A_22] : memref<1600016xf32, #tpu.memory_space<hbm>> -> memref<100000xf32, #tpu.memory_space<hbm>>
    %dma_start3A_24 = arith.constant 0 : i32
    %dma_start3A_25 = tpu.memref_slice %dma_start3A_23[%dma_start3A_24] : memref<100000xf32, #tpu.memory_space<hbm>> -> memref<100000xf32, #tpu.memory_space<hbm>>
    tpu.enqueue_indirect_dma source(%dma_start3A_25 : memref<100000xf32, #tpu.memory_space<hbm>>) target(%dma_start3A_18 : memref<512xf32, #tpu.memory_space<vmem>>) offsets(%dma_start3A_21 : memref<512xi32, #tpu.memory_space<vmem>>) semaphore(%arg8 : memref<!tpu.dma_semaphore, #tpu.memory_space<semaphore_mem>>)
    %scan3A = arith.constant 0 : i32
    %scan3A_26 = arith.constant 0 : i32
    %scan3A_27 = arith.constant 32 : i32
    %scan3A_28 = arith.addi %scan3A_26, %scan3A_27 : i32
    %scan3A_29 = arith.constant 1 : i32
    scf.for %scan3A_258 = %scan3A_26 to %scan3A_28 step %scan3A_29  : i32 {
      %mul3A_259 = arith.constant 16 : i32
      %mul3A_260 = arith.muli %scan3A_258, %mul3A_259 : i32
      %get3A = arith.constant 0 : i32
      %get3A_261 = arith.index_cast %get3A : i32 to index
      %get3A_262 = arith.index_cast %mul3A_260 : i32 to index
      %get3A_263 = tpu.vector_load %arg5[%get3A_261, %get3A_262] {strides = array<i32>} : memref<8x512xi32, #tpu.memory_space<vmem>>, vector<1x16xi32>,
      %get3A_264 = vector.shape_cast %get3A_263 : vector<1x16xi32> to vector<16xi32>
      %add3A_265 = arith.constant 1 : i32
      %add3A_266 = vector.broadcast %add3A_265 : i32 to vector<16xi32>
      %add3A_267 = arith.addi %get3A_264, %add3A_266 : vector<16xi32>
      %swap3A = arith.constant 1 : i32
      %swap3A_268 = arith.index_cast %swap3A : i32 to index
      %swap3A_269 = arith.index_cast %mul3A_260 : i32 to index
      %swap3A_270 = tpu.vector_load %arg5[%swap3A_268, %swap3A_269] {strides = array<i32>} : memref<8x512xi32, #tpu.memory_space<vmem>>, vector<1x16xi32>,
      %swap3A_271 = vector.shape_cast %swap3A_270 : vector<1x16xi32> to vector<16xi32>
      %swap3A_272 = vector.shape_cast %add3A_267 : vector<16xi32> to vector<1x16xi32>
      tpu.vector_store %arg5[%swap3A_268, %swap3A_269], %swap3A_272 {strides = array<i32>} : memref<8x512xi32, #tpu.memory_space<vmem>>, vector<1x16xi32>,
    }
    %scan3A_30 = arith.constant 32 : i32
    %dma_start3A_31 = arith.constant 1 : i32
    %dma_start3A_32 = arith.constant 0 : i32
    %dma_start3A_33 = arith.constant 0 : i32
    %dma_start3A_34 = tpu.memref_slice %arg6[%dma_start3A_32, %dma_start3A_33] : memref<16x512xf32, #tpu.memory_space<vmem>> -> memref<1x512xf32, #tpu.memory_space<vmem>>
    %dma_start3A_35 = tpu.memref_squeeze %dma_start3A_34 : memref<1x512xf32, #tpu.memory_space<vmem>> -> memref<512xf32, #tpu.memory_space<vmem>>
    %dma_start3A_36 = arith.constant 0 : i32
    %dma_start3A_37 = tpu.memref_slice %arg5[%dma_start3A_31, %dma_start3A_36] : memref<8x512xi32, #tpu.memory_space<vmem>> -> memref<1x512xi32, #tpu.memory_space<vmem>>
    %dma_start3A_38 = tpu.memref_squeeze %dma_start3A_37 : memref<1x512xi32, #tpu.memory_space<vmem>> -> memref<512xi32, #tpu.memory_space<vmem>>
    %dma_start3A_39 = arith.constant 0 : i32
    %dma_start3A_40 = tpu.memref_slice %arg3[%dma_start3A_39] : memref<1600016xf32, #tpu.memory_space<hbm>> -> memref<100008xf32, #tpu.memory_space<hbm>>
    %dma_start3A_41 = arith.constant 0 : i32
    %dma_start3A_42 = tpu.memref_slice %dma_start3A_40[%dma_start3A_41] : memref<100008xf32, #tpu.memory_space<hbm>> -> memref<100008xf32, #tpu.memory_space<hbm>>
    tpu.enqueue_indirect_dma source(%dma_start3A_42 : memref<100008xf32, #tpu.memory_space<hbm>>) target(%dma_start3A_35 : memref<512xf32, #tpu.memory_space<vmem>>) offsets(%dma_start3A_38 : memref<512xi32, #tpu.memory_space<vmem>>) semaphore(%arg7 : memref<!tpu.dma_semaphore, #tpu.memory_space<semaphore_mem>>)
    %dma_start3A_43 = arith.constant 1 : i32
    %dma_start3A_44 = arith.constant 8 : i32
    %dma_start3A_45 = arith.constant 0 : i32
    %dma_start3A_46 = tpu.memref_slice %arg6[%dma_start3A_44, %dma_start3A_45] : memref<16x512xf32, #tpu.memory_space<vmem>> -> memref<1x512xf32, #tpu.memory_space<vmem>>
    %dma_start3A_47 = tpu.memref_squeeze %dma_start3A_46 : memref<1x512xf32, #tpu.memory_space<vmem>> -> memref<512xf32, #tpu.memory_space<vmem>>
    %dma_start3A_48 = arith.constant 0 : i32
    %dma_start3A_49 = tpu.memref_slice %arg5[%dma_start3A_43, %dma_start3A_48] : memref<8x512xi32, #tpu.memory_space<vmem>> -> memref<1x512xi32, #tpu.memory_space<vmem>>
    %dma_start3A_50 = tpu.memref_squeeze %dma_start3A_49 : memref<1x512xi32, #tpu.memory_space<vmem>> -> memref<512xi32, #tpu.memory_space<vmem>>
    %dma_start3A_51 = arith.constant 800008 : i32
    %dma_start3A_52 = tpu.memref_slice %arg3[%dma_start3A_51] : memref<1600016xf32, #tpu.memory_space<hbm>> -> memref<100008xf32, #tpu.memory_space<hbm>>
    %dma_start3A_53 = arith.constant 0 : i32
    %dma_start3A_54 = tpu.memref_slice %dma_start3A_52[%dma_start3A_53] : memref<100008xf32, #tpu.memory_space<hbm>> -> memref<100008xf32, #tpu.memory_space<hbm>>
    tpu.enqueue_indirect_dma source(%dma_start3A_54 : memref<100008xf32, #tpu.memory_space<hbm>>) target(%dma_start3A_47 : memref<512xf32, #tpu.memory_space<vmem>>) offsets(%dma_start3A_50 : memref<512xi32, #tpu.memory_space<vmem>>) semaphore(%arg8 : memref<!tpu.dma_semaphore, #tpu.memory_space<semaphore_mem>>)
    %scan3A_55 = arith.constant 0 : i32
    %scan3A_56 = arith.constant 0 : i32
    %scan3A_57 = arith.constant 32 : i32
    %scan3A_58 = arith.addi %scan3A_56, %scan3A_57 : i32
    %scan3A_59 = arith.constant 1 : i32
    scf.for %scan3A_258 = %scan3A_56 to %scan3A_58 step %scan3A_59  : i32 {
      %mul3A_259 = arith.constant 16 : i32
      %mul3A_260 = arith.muli %scan3A_258, %mul3A_259 : i32
      %get3A = arith.constant 0 : i32
      %get3A_261 = arith.index_cast %get3A : i32 to index
      %get3A_262 = arith.index_cast %mul3A_260 : i32 to index
      %get3A_263 = tpu.vector_load %arg5[%get3A_261, %get3A_262] {strides = array<i32>} : memref<8x512xi32, #tpu.memory_space<vmem>>, vector<1x16xi32>,
      %get3A_264 = vector.shape_cast %get3A_263 : vector<1x16xi32> to vector<16xi32>
      %add3A_265 = arith.constant 2 : i32
      %add3A_266 = vector.broadcast %add3A_265 : i32 to vector<16xi32>
      %add3A_267 = arith.addi %get3A_264, %add3A_266 : vector<16xi32>
      %swap3A = arith.constant 2 : i32
      %swap3A_268 = arith.index_cast %swap3A : i32 to index
      %swap3A_269 = arith.index_cast %mul3A_260 : i32 to index
      %swap3A_270 = tpu.vector_load %arg5[%swap3A_268, %swap3A_269] {strides = array<i32>} : memref<8x512xi32, #tpu.memory_space<vmem>>, vector<1x16xi32>,
      %swap3A_271 = vector.shape_cast %swap3A_270 : vector<1x16xi32> to vector<16xi32>
      %swap3A_272 = vector.shape_cast %add3A_267 : vector<16xi32> to vector<1x16xi32>
      tpu.vector_store %arg5[%swap3A_268, %swap3A_269], %swap3A_272 {strides = array<i32>} : memref<8x512xi32, #tpu.memory_space<vmem>>, vector<1x16xi32>,
    }
    %scan3A_60 = arith.constant 32 : i32
    %dma_start3A_61 = arith.constant 2 : i32
    %dma_start3A_62 = arith.constant 1 : i32
    %dma_start3A_63 = arith.constant 0 : i32
    %dma_start3A_64 = tpu.memref_slice %arg6[%dma_start3A_62, %dma_start3A_63] : memref<16x512xf32, #tpu.memory_space<vmem>> -> memref<1x512xf32, #tpu.memory_space<vmem>>
    %dma_start3A_65 = tpu.memref_squeeze %dma_start3A_64 : memref<1x512xf32, #tpu.memory_space<vmem>> -> memref<512xf32, #tpu.memory_space<vmem>>
    %dma_start3A_66 = arith.constant 0 : i32
    %dma_start3A_67 = tpu.memref_slice %arg5[%dma_start3A_61, %dma_start3A_66] : memref<8x512xi32, #tpu.memory_space<vmem>> -> memref<1x512xi32, #tpu.memory_space<vmem>>
    %dma_start3A_68 = tpu.memref_squeeze %dma_start3A_67 : memref<1x512xi32, #tpu.memory_space<vmem>> -> memref<512xi32, #tpu.memory_space<vmem>>
    %dma_start3A_69 = arith.constant 100000 : i32
    %dma_start3A_70 = tpu.memref_slice %arg3[%dma_start3A_69] : memref<1600016xf32, #tpu.memory_space<hbm>> -> memref<100008xf32, #tpu.memory_space<hbm>>
    %dma_start3A_71 = arith.constant 0 : i32
    %dma_start3A_72 = tpu.memref_slice %dma_start3A_70[%dma_start3A_71] : memref<100008xf32, #tpu.memory_space<hbm>> -> memref<100008xf32, #tpu.memory_space<hbm>>
    tpu.enqueue_indirect_dma source(%dma_start3A_72 : memref<100008xf32, #tpu.memory_space<hbm>>) target(%dma_start3A_65 : memref<512xf32, #tpu.memory_space<vmem>>) offsets(%dma_start3A_68 : memref<512xi32, #tpu.memory_space<vmem>>) semaphore(%arg7 : memref<!tpu.dma_semaphore, #tpu.memory_space<semaphore_mem>>)
    %dma_start3A_73 = arith.constant 2 : i32
    %dma_start3A_74 = arith.constant 9 : i32
    %dma_start3A_75 = arith.constant 0 : i32
    %dma_start3A_76 = tpu.memref_slice %arg6[%dma_start3A_74, %dma_start3A_75] : memref<16x512xf32, #tpu.memory_space<vmem>> -> memref<1x512xf32, #tpu.memory_space<vmem>>
    %dma_start3A_77 = tpu.memref_squeeze %dma_start3A_76 : memref<1x512xf32, #tpu.memory_space<vmem>> -> memref<512xf32, #tpu.memory_space<vmem>>
    %dma_start3A_78 = arith.constant 0 : i32
    %dma_start3A_79 = tpu.memref_slice %arg5[%dma_start3A_73, %dma_start3A_78] : memref<8x512xi32, #tpu.memory_space<vmem>> -> memref<1x512xi32, #tpu.memory_space<vmem>>
    %dma_start3A_80 = tpu.memref_squeeze %dma_start3A_79 : memref<1x512xi32, #tpu.memory_space<vmem>> -> memref<512xi32, #tpu.memory_space<vmem>>
    %dma_start3A_81 = arith.constant 900008 : i32
    %dma_start3A_82 = tpu.memref_slice %arg3[%dma_start3A_81] : memref<1600016xf32, #tpu.memory_space<hbm>> -> memref<100008xf32, #tpu.memory_space<hbm>>
    %dma_start3A_83 = arith.constant 0 : i32
    %dma_start3A_84 = tpu.memref_slice %dma_start3A_82[%dma_start3A_83] : memref<100008xf32, #tpu.memory_space<hbm>> -> memref<100008xf32, #tpu.memory_space<hbm>>
    tpu.enqueue_indirect_dma source(%dma_start3A_84 : memref<100008xf32, #tpu.memory_space<hbm>>) target(%dma_start3A_77 : memref<512xf32, #tpu.memory_space<vmem>>) offsets(%dma_start3A_80 : memref<512xi32, #tpu.memory_space<vmem>>) semaphore(%arg8 : memref<!tpu.dma_semaphore, #tpu.memory_space<semaphore_mem>>)
    %scan3A_85 = arith.constant 0 : i32
    %scan3A_86 = arith.constant 0 : i32
    %scan3A_87 = arith.constant 32 : i32
    %scan3A_88 = arith.addi %scan3A_86, %scan3A_87 : i32
    %scan3A_89 = arith.constant 1 : i32
    scf.for %scan3A_258 = %scan3A_86 to %scan3A_88 step %scan3A_89  : i32 {
      %mul3A_259 = arith.constant 16 : i32
      %mul3A_260 = arith.muli %scan3A_258, %mul3A_259 : i32
      %get3A = arith.constant 0 : i32
      %get3A_261 = arith.index_cast %get3A : i32 to index
      %get3A_262 = arith.index_cast %mul3A_260 : i32 to index
      %get3A_263 = tpu.vector_load %arg5[%get3A_261, %get3A_262] {strides = array<i32>} : memref<8x512xi32, #tpu.memory_space<vmem>>, vector<1x16xi32>,
      %get3A_264 = vector.shape_cast %get3A_263 : vector<1x16xi32> to vector<16xi32>
      %add3A_265 = arith.constant 3 : i32
      %add3A_266 = vector.broadcast %add3A_265 : i32 to vector<16xi32>
      %add3A_267 = arith.addi %get3A_264, %add3A_266 : vector<16xi32>
      %swap3A = arith.constant 3 : i32
      %swap3A_268 = arith.index_cast %swap3A : i32 to index
      %swap3A_269 = arith.index_cast %mul3A_260 : i32 to index
      %swap3A_270 = tpu.vector_load %arg5[%swap3A_268, %swap3A_269] {strides = array<i32>} : memref<8x512xi32, #tpu.memory_space<vmem>>, vector<1x16xi32>,
      %swap3A_271 = vector.shape_cast %swap3A_270 : vector<1x16xi32> to vector<16xi32>
      %swap3A_272 = vector.shape_cast %add3A_267 : vector<16xi32> to vector<1x16xi32>
      tpu.vector_store %arg5[%swap3A_268, %swap3A_269], %swap3A_272 {strides = array<i32>} : memref<8x512xi32, #tpu.memory_space<vmem>>, vector<1x16xi32>,
    }
    %scan3A_90 = arith.constant 32 : i32
    %dma_start3A_91 = arith.constant 3 : i32
    %dma_start3A_92 = arith.constant 2 : i32
    %dma_start3A_93 = arith.constant 0 : i32
    %dma_start3A_94 = tpu.memref_slice %arg6[%dma_start3A_92, %dma_start3A_93] : memref<16x512xf32, #tpu.memory_space<vmem>> -> memref<1x512xf32, #tpu.memory_space<vmem>>
    %dma_start3A_95 = tpu.memref_squeeze %dma_start3A_94 : memref<1x512xf32, #tpu.memory_space<vmem>> -> memref<512xf32, #tpu.memory_space<vmem>>
    %dma_start3A_96 = arith.constant 0 : i32
    %dma_start3A_97 = tpu.memref_slice %arg5[%dma_start3A_91, %dma_start3A_96] : memref<8x512xi32, #tpu.memory_space<vmem>> -> memref<1x512xi32, #tpu.memory_space<vmem>>
    %dma_start3A_98 = tpu.memref_squeeze %dma_start3A_97 : memref<1x512xi32, #tpu.memory_space<vmem>> -> memref<512xi32, #tpu.memory_space<vmem>>
    %dma_start3A_99 = arith.constant 200000 : i32
    %dma_start3A_100 = tpu.memref_slice %arg3[%dma_start3A_99] : memref<1600016xf32, #tpu.memory_space<hbm>> -> memref<100008xf32, #tpu.memory_space<hbm>>
    %dma_start3A_101 = arith.constant 0 : i32
    %dma_start3A_102 = tpu.memref_slice %dma_start3A_100[%dma_start3A_101] : memref<100008xf32, #tpu.memory_space<hbm>> -> memref<100008xf32, #tpu.memory_space<hbm>>
    tpu.enqueue_indirect_dma source(%dma_start3A_102 : memref<100008xf32, #tpu.memory_space<hbm>>) target(%dma_start3A_95 : memref<512xf32, #tpu.memory_space<vmem>>) offsets(%dma_start3A_98 : memref<512xi32, #tpu.memory_space<vmem>>) semaphore(%arg7 : memref<!tpu.dma_semaphore, #tpu.memory_space<semaphore_mem>>)
    %dma_start3A_103 = arith.constant 3 : i32
    %dma_start3A_104 = arith.constant 10 : i32
    %dma_start3A_105 = arith.constant 0 : i32
    %dma_start3A_106 = tpu.memref_slice %arg6[%dma_start3A_104, %dma_start3A_105] : memref<16x512xf32, #tpu.memory_space<vmem>> -> memref<1x512xf32, #tpu.memory_space<vmem>>
    %dma_start3A_107 = tpu.memref_squeeze %dma_start3A_106 : memref<1x512xf32, #tpu.memory_space<vmem>> -> memref<512xf32, #tpu.memory_space<vmem>>
    %dma_start3A_108 = arith.constant 0 : i32
    %dma_start3A_109 = tpu.memref_slice %arg5[%dma_start3A_103, %dma_start3A_108] : memref<8x512xi32, #tpu.memory_space<vmem>> -> memref<1x512xi32, #tpu.memory_space<vmem>>
    %dma_start3A_110 = tpu.memref_squeeze %dma_start3A_109 : memref<1x512xi32, #tpu.memory_space<vmem>> -> memref<512xi32, #tpu.memory_space<vmem>>
    %dma_start3A_111 = arith.constant 1000008 : i32
    %dma_start3A_112 = tpu.memref_slice %arg3[%dma_start3A_111] : memref<1600016xf32, #tpu.memory_space<hbm>> -> memref<100008xf32, #tpu.memory_space<hbm>>
    %dma_start3A_113 = arith.constant 0 : i32
    %dma_start3A_114 = tpu.memref_slice %dma_start3A_112[%dma_start3A_113] : memref<100008xf32, #tpu.memory_space<hbm>> -> memref<100008xf32, #tpu.memory_space<hbm>>
    tpu.enqueue_indirect_dma source(%dma_start3A_114 : memref<100008xf32, #tpu.memory_space<hbm>>) target(%dma_start3A_107 : memref<512xf32, #tpu.memory_space<vmem>>) offsets(%dma_start3A_110 : memref<512xi32, #tpu.memory_space<vmem>>) semaphore(%arg8 : memref<!tpu.dma_semaphore, #tpu.memory_space<semaphore_mem>>)
    %scan3A_115 = arith.constant 0 : i32
    %scan3A_116 = arith.constant 0 : i32
    %scan3A_117 = arith.constant 32 : i32
    %scan3A_118 = arith.addi %scan3A_116, %scan3A_117 : i32
    %scan3A_119 = arith.constant 1 : i32
    scf.for %scan3A_258 = %scan3A_116 to %scan3A_118 step %scan3A_119  : i32 {
      %mul3A_259 = arith.constant 16 : i32
      %mul3A_260 = arith.muli %scan3A_258, %mul3A_259 : i32
      %get3A = arith.constant 0 : i32
      %get3A_261 = arith.index_cast %get3A : i32 to index
      %get3A_262 = arith.index_cast %mul3A_260 : i32 to index
      %get3A_263 = tpu.vector_load %arg5[%get3A_261, %get3A_262] {strides = array<i32>} : memref<8x512xi32, #tpu.memory_space<vmem>>, vector<1x16xi32>,
      %get3A_264 = vector.shape_cast %get3A_263 : vector<1x16xi32> to vector<16xi32>
      %add3A_265 = arith.constant 4 : i32
      %add3A_266 = vector.broadcast %add3A_265 : i32 to vector<16xi32>
      %add3A_267 = arith.addi %get3A_264, %add3A_266 : vector<16xi32>
      %swap3A = arith.constant 4 : i32
      %swap3A_268 = arith.index_cast %swap3A : i32 to index
      %swap3A_269 = arith.index_cast %mul3A_260 : i32 to index
      %swap3A_270 = tpu.vector_load %arg5[%swap3A_268, %swap3A_269] {strides = array<i32>} : memref<8x512xi32, #tpu.memory_space<vmem>>, vector<1x16xi32>,
      %swap3A_271 = vector.shape_cast %swap3A_270 : vector<1x16xi32> to vector<16xi32>
      %swap3A_272 = vector.shape_cast %add3A_267 : vector<16xi32> to vector<1x16xi32>
      tpu.vector_store %arg5[%swap3A_268, %swap3A_269], %swap3A_272 {strides = array<i32>} : memref<8x512xi32, #tpu.memory_space<vmem>>, vector<1x16xi32>,
    }
    %scan3A_120 = arith.constant 32 : i32
    %dma_start3A_121 = arith.constant 4 : i32
    %dma_start3A_122 = arith.constant 3 : i32
    %dma_start3A_123 = arith.constant 0 : i32
    %dma_start3A_124 = tpu.memref_slice %arg6[%dma_start3A_122, %dma_start3A_123] : memref<16x512xf32, #tpu.memory_space<vmem>> -> memref<1x512xf32, #tpu.memory_space<vmem>>
    %dma_start3A_125 = tpu.memref_squeeze %dma_start3A_124 : memref<1x512xf32, #tpu.memory_space<vmem>> -> memref<512xf32, #tpu.memory_space<vmem>>
    %dma_start3A_126 = arith.constant 0 : i32
    %dma_start3A_127 = tpu.memref_slice %arg5[%dma_start3A_121, %dma_start3A_126] : memref<8x512xi32, #tpu.memory_space<vmem>> -> memref<1x512xi32, #tpu.memory_space<vmem>>
    %dma_start3A_128 = tpu.memref_squeeze %dma_start3A_127 : memref<1x512xi32, #tpu.memory_space<vmem>> -> memref<512xi32, #tpu.memory_space<vmem>>
    %dma_start3A_129 = arith.constant 300000 : i32
    %dma_start3A_130 = tpu.memref_slice %arg3[%dma_start3A_129] : memref<1600016xf32, #tpu.memory_space<hbm>> -> memref<100008xf32, #tpu.memory_space<hbm>>
    %dma_start3A_131 = arith.constant 0 : i32
    %dma_start3A_132 = tpu.memref_slice %dma_start3A_130[%dma_start3A_131] : memref<100008xf32, #tpu.memory_space<hbm>> -> memref<100008xf32, #tpu.memory_space<hbm>>
    tpu.enqueue_indirect_dma source(%dma_start3A_132 : memref<100008xf32, #tpu.memory_space<hbm>>) target(%dma_start3A_125 : memref<512xf32, #tpu.memory_space<vmem>>) offsets(%dma_start3A_128 : memref<512xi32, #tpu.memory_space<vmem>>) semaphore(%arg7 : memref<!tpu.dma_semaphore, #tpu.memory_space<semaphore_mem>>)
    %dma_start3A_133 = arith.constant 4 : i32
    %dma_start3A_134 = arith.constant 11 : i32
    %dma_start3A_135 = arith.constant 0 : i32
    %dma_start3A_136 = tpu.memref_slice %arg6[%dma_start3A_134, %dma_start3A_135] : memref<16x512xf32, #tpu.memory_space<vmem>> -> memref<1x512xf32, #tpu.memory_space<vmem>>
    %dma_start3A_137 = tpu.memref_squeeze %dma_start3A_136 : memref<1x512xf32, #tpu.memory_space<vmem>> -> memref<512xf32, #tpu.memory_space<vmem>>
    %dma_start3A_138 = arith.constant 0 : i32
    %dma_start3A_139 = tpu.memref_slice %arg5[%dma_start3A_133, %dma_start3A_138] : memref<8x512xi32, #tpu.memory_space<vmem>> -> memref<1x512xi32, #tpu.memory_space<vmem>>
    %dma_start3A_140 = tpu.memref_squeeze %dma_start3A_139 : memref<1x512xi32, #tpu.memory_space<vmem>> -> memref<512xi32, #tpu.memory_space<vmem>>
    %dma_start3A_141 = arith.constant 1100008 : i32
    %dma_start3A_142 = tpu.memref_slice %arg3[%dma_start3A_141] : memref<1600016xf32, #tpu.memory_space<hbm>> -> memref<100008xf32, #tpu.memory_space<hbm>>
    %dma_start3A_143 = arith.constant 0 : i32
    %dma_start3A_144 = tpu.memref_slice %dma_start3A_142[%dma_start3A_143] : memref<100008xf32, #tpu.memory_space<hbm>> -> memref<100008xf32, #tpu.memory_space<hbm>>
    tpu.enqueue_indirect_dma source(%dma_start3A_144 : memref<100008xf32, #tpu.memory_space<hbm>>) target(%dma_start3A_137 : memref<512xf32, #tpu.memory_space<vmem>>) offsets(%dma_start3A_140 : memref<512xi32, #tpu.memory_space<vmem>>) semaphore(%arg8 : memref<!tpu.dma_semaphore, #tpu.memory_space<semaphore_mem>>)
    %scan3A_145 = arith.constant 0 : i32
    %scan3A_146 = arith.constant 0 : i32
    %scan3A_147 = arith.constant 32 : i32
    %scan3A_148 = arith.addi %scan3A_146, %scan3A_147 : i32
    %scan3A_149 = arith.constant 1 : i32
    scf.for %scan3A_258 = %scan3A_146 to %scan3A_148 step %scan3A_149  : i32 {
      %mul3A_259 = arith.constant 16 : i32
      %mul3A_260 = arith.muli %scan3A_258, %mul3A_259 : i32
      %get3A = arith.constant 0 : i32
      %get3A_261 = arith.index_cast %get3A : i32 to index
      %get3A_262 = arith.index_cast %mul3A_260 : i32 to index
      %get3A_263 = tpu.vector_load %arg5[%get3A_261, %get3A_262] {strides = array<i32>} : memref<8x512xi32, #tpu.memory_space<vmem>>, vector<1x16xi32>,
      %get3A_264 = vector.shape_cast %get3A_263 : vector<1x16xi32> to vector<16xi32>
      %add3A_265 = arith.constant 5 : i32
      %add3A_266 = vector.broadcast %add3A_265 : i32 to vector<16xi32>
      %add3A_267 = arith.addi %get3A_264, %add3A_266 : vector<16xi32>
      %swap3A = arith.constant 5 : i32
      %swap3A_268 = arith.index_cast %swap3A : i32 to index
      %swap3A_269 = arith.index_cast %mul3A_260 : i32 to index
      %swap3A_270 = tpu.vector_load %arg5[%swap3A_268, %swap3A_269] {strides = array<i32>} : memref<8x512xi32, #tpu.memory_space<vmem>>, vector<1x16xi32>,
      %swap3A_271 = vector.shape_cast %swap3A_270 : vector<1x16xi32> to vector<16xi32>
      %swap3A_272 = vector.shape_cast %add3A_267 : vector<16xi32> to vector<1x16xi32>
      tpu.vector_store %arg5[%swap3A_268, %swap3A_269], %swap3A_272 {strides = array<i32>} : memref<8x512xi32, #tpu.memory_space<vmem>>, vector<1x16xi32>,
    }
    %scan3A_150 = arith.constant 32 : i32
    %dma_start3A_151 = arith.constant 5 : i32
    %dma_start3A_152 = arith.constant 4 : i32
    %dma_start3A_153 = arith.constant 0 : i32
    %dma_start3A_154 = tpu.memref_slice %arg6[%dma_start3A_152, %dma_start3A_153] : memref<16x512xf32, #tpu.memory_space<vmem>> -> memref<1x512xf32, #tpu.memory_space<vmem>>
    %dma_start3A_155 = tpu.memref_squeeze %dma_start3A_154 : memref<1x512xf32, #tpu.memory_space<vmem>> -> memref<512xf32, #tpu.memory_space<vmem>>
    %dma_start3A_156 = arith.constant 0 : i32
    %dma_start3A_157 = tpu.memref_slice %arg5[%dma_start3A_151, %dma_start3A_156] : memref<8x512xi32, #tpu.memory_space<vmem>> -> memref<1x512xi32, #tpu.memory_space<vmem>>
    %dma_start3A_158 = tpu.memref_squeeze %dma_start3A_157 : memref<1x512xi32, #tpu.memory_space<vmem>> -> memref<512xi32, #tpu.memory_space<vmem>>
    %dma_start3A_159 = arith.constant 400000 : i32
    %dma_start3A_160 = tpu.memref_slice %arg3[%dma_start3A_159] : memref<1600016xf32, #tpu.memory_space<hbm>> -> memref<100008xf32, #tpu.memory_space<hbm>>
    %dma_start3A_161 = arith.constant 0 : i32
    %dma_start3A_162 = tpu.memref_slice %dma_start3A_160[%dma_start3A_161] : memref<100008xf32, #tpu.memory_space<hbm>> -> memref<100008xf32, #tpu.memory_space<hbm>>
    tpu.enqueue_indirect_dma source(%dma_start3A_162 : memref<100008xf32, #tpu.memory_space<hbm>>) target(%dma_start3A_155 : memref<512xf32, #tpu.memory_space<vmem>>) offsets(%dma_start3A_158 : memref<512xi32, #tpu.memory_space<vmem>>) semaphore(%arg7 : memref<!tpu.dma_semaphore, #tpu.memory_space<semaphore_mem>>)
    %dma_start3A_163 = arith.constant 5 : i32
    %dma_start3A_164 = arith.constant 12 : i32
    %dma_start3A_165 = arith.constant 0 : i32
    %dma_start3A_166 = tpu.memref_slice %arg6[%dma_start3A_164, %dma_start3A_165] : memref<16x512xf32, #tpu.memory_space<vmem>> -> memref<1x512xf32, #tpu.memory_space<vmem>>
    %dma_start3A_167 = tpu.memref_squeeze %dma_start3A_166 : memref<1x512xf32, #tpu.memory_space<vmem>> -> memref<512xf32, #tpu.memory_space<vmem>>
    %dma_start3A_168 = arith.constant 0 : i32
    %dma_start3A_169 = tpu.memref_slice %arg5[%dma_start3A_163, %dma_start3A_168] : memref<8x512xi32, #tpu.memory_space<vmem>> -> memref<1x512xi32, #tpu.memory_space<vmem>>
    %dma_start3A_170 = tpu.memref_squeeze %dma_start3A_169 : memref<1x512xi32, #tpu.memory_space<vmem>> -> memref<512xi32, #tpu.memory_space<vmem>>
    %dma_start3A_171 = arith.constant 1200008 : i32
    %dma_start3A_172 = tpu.memref_slice %arg3[%dma_start3A_171] : memref<1600016xf32, #tpu.memory_space<hbm>> -> memref<100008xf32, #tpu.memory_space<hbm>>
    %dma_start3A_173 = arith.constant 0 : i32
    %dma_start3A_174 = tpu.memref_slice %dma_start3A_172[%dma_start3A_173] : memref<100008xf32, #tpu.memory_space<hbm>> -> memref<100008xf32, #tpu.memory_space<hbm>>
    tpu.enqueue_indirect_dma source(%dma_start3A_174 : memref<100008xf32, #tpu.memory_space<hbm>>) target(%dma_start3A_167 : memref<512xf32, #tpu.memory_space<vmem>>) offsets(%dma_start3A_170 : memref<512xi32, #tpu.memory_space<vmem>>) semaphore(%arg8 : memref<!tpu.dma_semaphore, #tpu.memory_space<semaphore_mem>>)
    %scan3A_175 = arith.constant 0 : i32
    %scan3A_176 = arith.constant 0 : i32
    %scan3A_177 = arith.constant 32 : i32
    %scan3A_178 = arith.addi %scan3A_176, %scan3A_177 : i32
    %scan3A_179 = arith.constant 1 : i32
    scf.for %scan3A_258 = %scan3A_176 to %scan3A_178 step %scan3A_179  : i32 {
      %mul3A_259 = arith.constant 16 : i32
      %mul3A_260 = arith.muli %scan3A_258, %mul3A_259 : i32
      %get3A = arith.constant 0 : i32
      %get3A_261 = arith.index_cast %get3A : i32 to index
      %get3A_262 = arith.index_cast %mul3A_260 : i32 to index
      %get3A_263 = tpu.vector_load %arg5[%get3A_261, %get3A_262] {strides = array<i32>} : memref<8x512xi32, #tpu.memory_space<vmem>>, vector<1x16xi32>,
      %get3A_264 = vector.shape_cast %get3A_263 : vector<1x16xi32> to vector<16xi32>
      %add3A_265 = arith.constant 6 : i32
      %add3A_266 = vector.broadcast %add3A_265 : i32 to vector<16xi32>
      %add3A_267 = arith.addi %get3A_264, %add3A_266 : vector<16xi32>
      %swap3A = arith.constant 6 : i32
      %swap3A_268 = arith.index_cast %swap3A : i32 to index
      %swap3A_269 = arith.index_cast %mul3A_260 : i32 to index
      %swap3A_270 = tpu.vector_load %arg5[%swap3A_268, %swap3A_269] {strides = array<i32>} : memref<8x512xi32, #tpu.memory_space<vmem>>, vector<1x16xi32>,
      %swap3A_271 = vector.shape_cast %swap3A_270 : vector<1x16xi32> to vector<16xi32>
      %swap3A_272 = vector.shape_cast %add3A_267 : vector<16xi32> to vector<1x16xi32>
      tpu.vector_store %arg5[%swap3A_268, %swap3A_269], %swap3A_272 {strides = array<i32>} : memref<8x512xi32, #tpu.memory_space<vmem>>, vector<1x16xi32>,
    }
    %scan3A_180 = arith.constant 32 : i32
    %dma_start3A_181 = arith.constant 6 : i32
    %dma_start3A_182 = arith.constant 5 : i32
    %dma_start3A_183 = arith.constant 0 : i32
    %dma_start3A_184 = tpu.memref_slice %arg6[%dma_start3A_182, %dma_start3A_183] : memref<16x512xf32, #tpu.memory_space<vmem>> -> memref<1x512xf32, #tpu.memory_space<vmem>>
    %dma_start3A_185 = tpu.memref_squeeze %dma_start3A_184 : memref<1x512xf32, #tpu.memory_space<vmem>> -> memref<512xf32, #tpu.memory_space<vmem>>
    %dma_start3A_186 = arith.constant 0 : i32
    %dma_start3A_187 = tpu.memref_slice %arg5[%dma_start3A_181, %dma_start3A_186] : memref<8x512xi32, #tpu.memory_space<vmem>> -> memref<1x512xi32, #tpu.memory_space<vmem>>
    %dma_start3A_188 = tpu.memref_squeeze %dma_start3A_187 : memref<1x512xi32, #tpu.memory_space<vmem>> -> memref<512xi32, #tpu.memory_space<vmem>>
    %dma_start3A_189 = arith.constant 500000 : i32
    %dma_start3A_190 = tpu.memref_slice %arg3[%dma_start3A_189] : memref<1600016xf32, #tpu.memory_space<hbm>> -> memref<100008xf32, #tpu.memory_space<hbm>>
    %dma_start3A_191 = arith.constant 0 : i32
    %dma_start3A_192 = tpu.memref_slice %dma_start3A_190[%dma_start3A_191] : memref<100008xf32, #tpu.memory_space<hbm>> -> memref<100008xf32, #tpu.memory_space<hbm>>
    tpu.enqueue_indirect_dma source(%dma_start3A_192 : memref<100008xf32, #tpu.memory_space<hbm>>) target(%dma_start3A_185 : memref<512xf32, #tpu.memory_space<vmem>>) offsets(%dma_start3A_188 : memref<512xi32, #tpu.memory_space<vmem>>) semaphore(%arg7 : memref<!tpu.dma_semaphore, #tpu.memory_space<semaphore_mem>>)
    %dma_start3A_193 = arith.constant 6 : i32
    %dma_start3A_194 = arith.constant 13 : i32
    %dma_start3A_195 = arith.constant 0 : i32
    %dma_start3A_196 = tpu.memref_slice %arg6[%dma_start3A_194, %dma_start3A_195] : memref<16x512xf32, #tpu.memory_space<vmem>> -> memref<1x512xf32, #tpu.memory_space<vmem>>
    %dma_start3A_197 = tpu.memref_squeeze %dma_start3A_196 : memref<1x512xf32, #tpu.memory_space<vmem>> -> memref<512xf32, #tpu.memory_space<vmem>>
    %dma_start3A_198 = arith.constant 0 : i32
    %dma_start3A_199 = tpu.memref_slice %arg5[%dma_start3A_193, %dma_start3A_198] : memref<8x512xi32, #tpu.memory_space<vmem>> -> memref<1x512xi32, #tpu.memory_space<vmem>>
    %dma_start3A_200 = tpu.memref_squeeze %dma_start3A_199 : memref<1x512xi32, #tpu.memory_space<vmem>> -> memref<512xi32, #tpu.memory_space<vmem>>
    %dma_start3A_201 = arith.constant 1300008 : i32
    %dma_start3A_202 = tpu.memref_slice %arg3[%dma_start3A_201] : memref<1600016xf32, #tpu.memory_space<hbm>> -> memref<100008xf32, #tpu.memory_space<hbm>>
    %dma_start3A_203 = arith.constant 0 : i32
    %dma_start3A_204 = tpu.memref_slice %dma_start3A_202[%dma_start3A_203] : memref<100008xf32, #tpu.memory_space<hbm>> -> memref<100008xf32, #tpu.memory_space<hbm>>
    tpu.enqueue_indirect_dma source(%dma_start3A_204 : memref<100008xf32, #tpu.memory_space<hbm>>) target(%dma_start3A_197 : memref<512xf32, #tpu.memory_space<vmem>>) offsets(%dma_start3A_200 : memref<512xi32, #tpu.memory_space<vmem>>) semaphore(%arg8 : memref<!tpu.dma_semaphore, #tpu.memory_space<semaphore_mem>>)
    %scan3A_205 = arith.constant 0 : i32
    %scan3A_206 = arith.constant 0 : i32
    %scan3A_207 = arith.constant 32 : i32
    %scan3A_208 = arith.addi %scan3A_206, %scan3A_207 : i32
    %scan3A_209 = arith.constant 1 : i32
    scf.for %scan3A_258 = %scan3A_206 to %scan3A_208 step %scan3A_209  : i32 {
      %mul3A_259 = arith.constant 16 : i32
      %mul3A_260 = arith.muli %scan3A_258, %mul3A_259 : i32
      %get3A = arith.constant 0 : i32
      %get3A_261 = arith.index_cast %get3A : i32 to index
      %get3A_262 = arith.index_cast %mul3A_260 : i32 to index
      %get3A_263 = tpu.vector_load %arg5[%get3A_261, %get3A_262] {strides = array<i32>} : memref<8x512xi32, #tpu.memory_space<vmem>>, vector<1x16xi32>,
      %get3A_264 = vector.shape_cast %get3A_263 : vector<1x16xi32> to vector<16xi32>
      %add3A_265 = arith.constant 7 : i32
      %add3A_266 = vector.broadcast %add3A_265 : i32 to vector<16xi32>
      %add3A_267 = arith.addi %get3A_264, %add3A_266 : vector<16xi32>
      %swap3A = arith.constant 7 : i32
      %swap3A_268 = arith.index_cast %swap3A : i32 to index
      %swap3A_269 = arith.index_cast %mul3A_260 : i32 to index
      %swap3A_270 = tpu.vector_load %arg5[%swap3A_268, %swap3A_269] {strides = array<i32>} : memref<8x512xi32, #tpu.memory_space<vmem>>, vector<1x16xi32>,
      %swap3A_271 = vector.shape_cast %swap3A_270 : vector<1x16xi32> to vector<16xi32>
      %swap3A_272 = vector.shape_cast %add3A_267 : vector<16xi32> to vector<1x16xi32>
      tpu.vector_store %arg5[%swap3A_268, %swap3A_269], %swap3A_272 {strides = array<i32>} : memref<8x512xi32, #tpu.memory_space<vmem>>, vector<1x16xi32>,
    }
    %scan3A_210 = arith.constant 32 : i32
    %dma_start3A_211 = arith.constant 7 : i32
    %dma_start3A_212 = arith.constant 6 : i32
    %dma_start3A_213 = arith.constant 0 : i32
    %dma_start3A_214 = tpu.memref_slice %arg6[%dma_start3A_212, %dma_start3A_213] : memref<16x512xf32, #tpu.memory_space<vmem>> -> memref<1x512xf32, #tpu.memory_space<vmem>>
    %dma_start3A_215 = tpu.memref_squeeze %dma_start3A_214 : memref<1x512xf32, #tpu.memory_space<vmem>> -> memref<512xf32, #tpu.memory_space<vmem>>
    %dma_start3A_216 = arith.constant 0 : i32
    %dma_start3A_217 = tpu.memref_slice %arg5[%dma_start3A_211, %dma_start3A_216] : memref<8x512xi32, #tpu.memory_space<vmem>> -> memref<1x512xi32, #tpu.memory_space<vmem>>
    %dma_start3A_218 = tpu.memref_squeeze %dma_start3A_217 : memref<1x512xi32, #tpu.memory_space<vmem>> -> memref<512xi32, #tpu.memory_space<vmem>>
    %dma_start3A_219 = arith.constant 600000 : i32
    %dma_start3A_220 = tpu.memref_slice %arg3[%dma_start3A_219] : memref<1600016xf32, #tpu.memory_space<hbm>> -> memref<100008xf32, #tpu.memory_space<hbm>>
    %dma_start3A_221 = arith.constant 0 : i32
    %dma_start3A_222 = tpu.memref_slice %dma_start3A_220[%dma_start3A_221] : memref<100008xf32, #tpu.memory_space<hbm>> -> memref<100008xf32, #tpu.memory_space<hbm>>
    tpu.enqueue_indirect_dma source(%dma_start3A_222 : memref<100008xf32, #tpu.memory_space<hbm>>) target(%dma_start3A_215 : memref<512xf32, #tpu.memory_space<vmem>>) offsets(%dma_start3A_218 : memref<512xi32, #tpu.memory_space<vmem>>) semaphore(%arg7 : memref<!tpu.dma_semaphore, #tpu.memory_space<semaphore_mem>>)
    %dma_start3A_223 = arith.constant 7 : i32
    %dma_start3A_224 = arith.constant 14 : i32
    %dma_start3A_225 = arith.constant 0 : i32
    %dma_start3A_226 = tpu.memref_slice %arg6[%dma_start3A_224, %dma_start3A_225] : memref<16x512xf32, #tpu.memory_space<vmem>> -> memref<1x512xf32, #tpu.memory_space<vmem>>
    %dma_start3A_227 = tpu.memref_squeeze %dma_start3A_226 : memref<1x512xf32, #tpu.memory_space<vmem>> -> memref<512xf32, #tpu.memory_space<vmem>>
    %dma_start3A_228 = arith.constant 0 : i32
    %dma_start3A_229 = tpu.memref_slice %arg5[%dma_start3A_223, %dma_start3A_228] : memref<8x512xi32, #tpu.memory_space<vmem>> -> memref<1x512xi32, #tpu.memory_space<vmem>>
    %dma_start3A_230 = tpu.memref_squeeze %dma_start3A_229 : memref<1x512xi32, #tpu.memory_space<vmem>> -> memref<512xi32, #tpu.memory_space<vmem>>
    %dma_start3A_231 = arith.constant 1400008 : i32
    %dma_start3A_232 = tpu.memref_slice %arg3[%dma_start3A_231] : memref<1600016xf32, #tpu.memory_space<hbm>> -> memref<100008xf32, #tpu.memory_space<hbm>>
    %dma_start3A_233 = arith.constant 0 : i32
    %dma_start3A_234 = tpu.memref_slice %dma_start3A_232[%dma_start3A_233] : memref<100008xf32, #tpu.memory_space<hbm>> -> memref<100008xf32, #tpu.memory_space<hbm>>
    tpu.enqueue_indirect_dma source(%dma_start3A_234 : memref<100008xf32, #tpu.memory_space<hbm>>) target(%dma_start3A_227 : memref<512xf32, #tpu.memory_space<vmem>>) offsets(%dma_start3A_230 : memref<512xi32, #tpu.memory_space<vmem>>) semaphore(%arg8 : memref<!tpu.dma_semaphore, #tpu.memory_space<semaphore_mem>>)
    %dma_wait3A = arith.constant 0 : i32
    %dma_wait3A_235 = arith.constant 0 : i32
    %dma_wait3A_236 = tpu.memref_slice %arg6[%dma_wait3A, %dma_wait3A_235] : memref<16x512xf32, #tpu.memory_space<vmem>> -> memref<8x512xf32, #tpu.memory_space<vmem>>
    %dma_wait3A_237 = arith.constant 0 : i32
    %dma_wait3A_238 = arith.constant 0 : i32
    %dma_wait3A_239 = tpu.memref_slice %arg4[%dma_wait3A_237, %dma_wait3A_238] : memref<16x16384xf32, #tpu.memory_space<hbm>> -> memref<8x512xf32, #tpu.memory_space<hbm>>
    %dma_wait3A_240 = arith.constant 0 : i32
    %dma_wait3A_241 = arith.constant 0 : i32
    %dma_wait3A_242 = tpu.memref_slice %arg6[%dma_wait3A_240, %dma_wait3A_241] : memref<16x512xf32, #tpu.memory_space<vmem>> -> memref<8x512xf32, #tpu.memory_space<vmem>>
    %dma_wait3A_243 = arith.constant 0 : i32
    %dma_wait3A_244 = arith.constant 0 : i32
    %dma_wait3A_245 = tpu.memref_slice %arg4[%dma_wait3A_243, %dma_wait3A_244] : memref<16x16384xf32, #tpu.memory_space<hbm>> -> memref<8x512xf32, #tpu.memory_space<hbm>>
    tpu.wait_dma2 semaphore(%arg7 : memref<!tpu.dma_semaphore, #tpu.memory_space<semaphore_mem>>) src(%dma_wait3A_245 : memref<8x512xf32, #tpu.memory_space<hbm>>) dst(%dma_wait3A_242 : memref<8x512xf32, #tpu.memory_space<vmem>>)
    "tpu.region"() ({
      %run_scoped3A_258 = tpu.sem_alloc : memref<!tpu.dma_semaphore, #tpu.memory_space<semaphore_mem>>
      %dma_start3A_259 = arith.constant 0 : i32
      %dma_start3A_260 = arith.constant 0 : i32
      %dma_start3A_261 = tpu.memref_slice %arg6[%dma_start3A_259, %dma_start3A_260] : memref<16x512xf32, #tpu.memory_space<vmem>> -> memref<8x512xf32, #tpu.memory_space<vmem>>
      %dma_start3A_262 = arith.constant 0 : i32
      %dma_start3A_263 = tpu.memref_slice %arg4[%dma_start3A_262, %mul3A_2] : memref<16x16384xf32, #tpu.memory_space<hbm>> -> memref<8x512xf32, #tpu.memory_space<hbm>>
      %dma_start3A_264 = arith.constant 0 : i32
      %dma_start3A_265 = tpu.memref_slice %arg4[%dma_start3A_264, %mul3A_2] : memref<16x16384xf32, #tpu.memory_space<hbm>> -> memref<8x512xf32, #tpu.memory_space<hbm>>
      %dma_start3A_266 = arith.constant 0 : i32
      %dma_start3A_267 = arith.constant 0 : i32
      %dma_start3A_268 = tpu.memref_slice %arg6[%dma_start3A_266, %dma_start3A_267] : memref<16x512xf32, #tpu.memory_space<vmem>> -> memref<8x512xf32, #tpu.memory_space<vmem>>
      tpu.enqueue_dma source(%dma_start3A_268 : memref<8x512xf32, #tpu.memory_space<vmem>>) target(%dma_start3A_265 : memref<8x512xf32, #tpu.memory_space<hbm>>) target_semaphore(%run_scoped3A_258 : memref<!tpu.dma_semaphore, #tpu.memory_space<semaphore_mem>>)
      %dma_wait3A_269 = arith.constant 0 : i32
      %dma_wait3A_270 = arith.constant 0 : i32
      %dma_wait3A_271 = tpu.memref_slice %arg6[%dma_wait3A_269, %dma_wait3A_270] : memref<16x512xf32, #tpu.memory_space<vmem>> -> memref<8x512xf32, #tpu.memory_space<vmem>>
      %dma_wait3A_272 = arith.constant 0 : i32
      %dma_wait3A_273 = tpu.memref_slice %arg4[%dma_wait3A_272, %mul3A_2] : memref<16x16384xf32, #tpu.memory_space<hbm>> -> memref<8x512xf32, #tpu.memory_space<hbm>>
      %dma_wait3A_274 = arith.constant 0 : i32
      %dma_wait3A_275 = tpu.memref_slice %arg4[%dma_wait3A_274, %mul3A_2] : memref<16x16384xf32, #tpu.memory_space<hbm>> -> memref<8x512xf32, #tpu.memory_space<hbm>>
      %dma_wait3A_276 = arith.constant 0 : i32
      %dma_wait3A_277 = arith.constant 0 : i32
      %dma_wait3A_278 = tpu.memref_slice %arg6[%dma_wait3A_276, %dma_wait3A_277] : memref<16x512xf32, #tpu.memory_space<vmem>> -> memref<8x512xf32, #tpu.memory_space<vmem>>
      tpu.wait_dma2 semaphore(%run_scoped3A_258 : memref<!tpu.dma_semaphore, #tpu.memory_space<semaphore_mem>>) src(%dma_wait3A_278 : memref<8x512xf32, #tpu.memory_space<vmem>>) dst(%dma_wait3A_275 : memref<8x512xf32, #tpu.memory_space<hbm>>)
      tpu.yield
    }) : () -> ()
    %dma_wait3A_246 = arith.constant 8 : i32
    %dma_wait3A_247 = arith.constant 0 : i32
    %dma_wait3A_248 = tpu.memref_slice %arg6[%dma_wait3A_246, %dma_wait3A_247] : memref<16x512xf32, #tpu.memory_space<vmem>> -> memref<8x512xf32, #tpu.memory_space<vmem>>
    %dma_wait3A_249 = arith.constant 0 : i32
    %dma_wait3A_250 = arith.constant 0 : i32
    %dma_wait3A_251 = tpu.memref_slice %arg4[%dma_wait3A_249, %dma_wait3A_250] : memref<16x16384xf32, #tpu.memory_space<hbm>> -> memref<8x512xf32, #tpu.memory_space<hbm>>
    %dma_wait3A_252 = arith.constant 8 : i32
    %dma_wait3A_253 = arith.constant 0 : i32
    %dma_wait3A_254 = tpu.memref_slice %arg6[%dma_wait3A_252, %dma_wait3A_253] : memref<16x512xf32, #tpu.memory_space<vmem>> -> memref<8x512xf32, #tpu.memory_space<vmem>>
    %dma_wait3A_255 = arith.constant 0 : i32
    %dma_wait3A_256 = arith.constant 0 : i32
    %dma_wait3A_257 = tpu.memref_slice %arg4[%dma_wait3A_255, %dma_wait3A_256] : memref<16x16384xf32, #tpu.memory_space<hbm>> -> memref<8x512xf32, #tpu.memory_space<hbm>>
    tpu.wait_dma2 semaphore(%arg8 : memref<!tpu.dma_semaphore, #tpu.memory_space<semaphore_mem>>) src(%dma_wait3A_257 : memref<8x512xf32, #tpu.memory_space<hbm>>) dst(%dma_wait3A_254 : memref<8x512xf32, #tpu.memory_space<vmem>>)
    "tpu.region"() ({
      %run_scoped3A_258 = tpu.sem_alloc : memref<!tpu.dma_semaphore, #tpu.memory_space<semaphore_mem>>
      %dma_start3A_259 = arith.constant 8 : i32
      %dma_start3A_260 = arith.constant 0 : i32
      %dma_start3A_261 = tpu.memref_slice %arg6[%dma_start3A_259, %dma_start3A_260] : memref<16x512xf32, #tpu.memory_space<vmem>> -> memref<8x512xf32, #tpu.memory_space<vmem>>
      %dma_start3A_262 = arith.constant 8 : i32
      %dma_start3A_263 = tpu.memref_slice %arg4[%dma_start3A_262, %mul3A_2] : memref<16x16384xf32, #tpu.memory_space<hbm>> -> memref<8x512xf32, #tpu.memory_space<hbm>>
      %dma_start3A_264 = arith.constant 8 : i32
      %dma_start3A_265 = tpu.memref_slice %arg4[%dma_start3A_264, %mul3A_2] : memref<16x16384xf32, #tpu.memory_space<hbm>> -> memref<8x512xf32, #tpu.memory_space<hbm>>
      %dma_start3A_266 = arith.constant 8 : i32
      %dma_start3A_267 = arith.constant 0 : i32
      %dma_start3A_268 = tpu.memref_slice %arg6[%dma_start3A_266, %dma_start3A_267] : memref<16x512xf32, #tpu.memory_space<vmem>> -> memref<8x512xf32, #tpu.memory_space<vmem>>
      tpu.enqueue_dma source(%dma_start3A_268 : memref<8x512xf32, #tpu.memory_space<vmem>>) target(%dma_start3A_265 : memref<8x512xf32, #tpu.memory_space<hbm>>) target_semaphore(%run_scoped3A_258 : memref<!tpu.dma_semaphore, #tpu.memory_space<semaphore_mem>>)
      %dma_wait3A_269 = arith.constant 8 : i32
      %dma_wait3A_270 = arith.constant 0 : i32
      %dma_wait3A_271 = tpu.memref_slice %arg6[%dma_wait3A_269, %dma_wait3A_270] : memref<16x512xf32, #tpu.memory_space<vmem>> -> memref<8x512xf32, #tpu.memory_space<vmem>>
      %dma_wait3A_272 = arith.constant 8 : i32
      %dma_wait3A_273 = tpu.memref_slice %arg4[%dma_wait3A_272, %mul3A_2] : memref<16x16384xf32, #tpu.memory_space<hbm>> -> memref<8x512xf32, #tpu.memory_space<hbm>>
      %dma_wait3A_274 = arith.constant 8 : i32
      %dma_wait3A_275 = tpu.memref_slice %arg4[%dma_wait3A_274, %mul3A_2] : memref<16x16384xf32, #tpu.memory_space<hbm>> -> memref<8x512xf32, #tpu.memory_space<hbm>>
      %dma_wait3A_276 = arith.constant 8 : i32
      %dma_wait3A_277 = arith.constant 0 : i32
      %dma_wait3A_278 = tpu.memref_slice %arg6[%dma_wait3A_276, %dma_wait3A_277] : memref<16x512xf32, #tpu.memory_space<vmem>> -> memref<8x512xf32, #tpu.memory_space<vmem>>
      tpu.wait_dma2 semaphore(%run_scoped3A_258 : memref<!tpu.dma_semaphore, #tpu.memory_space<semaphore_mem>>) src(%dma_wait3A_278 : memref<8x512xf32, #tpu.memory_space<vmem>>) dst(%dma_wait3A_275 : memref<8x512xf32, #tpu.memory_space<hbm>>)
      tpu.yield
    }) : () -> ()
    return
  }
}

</mosaic_0001>

<sc_bundles>
// kernel: kernel.3.cloned.1.call-start
scs
__scs_entry_jumppad:
0x0: {  	(pc) =	sbr.rel $0x88, $3  }
0x1: {  	(tag) =	ssettag $0x0;
	lr =	simm.s32 $0x1  }
0x2: {  	[smem:$0x3F9F] =	sst lr;
	_ =	strace $0xD0000000  }
0x3: {  	_ = 	snop  }
0x4: {  	_ = 	snop  }
0x5: {  	_ = 	snop  }
0x6: {  	_ = 	snop  }
0x7: {  	_ = 	snop  }
__scs_overlays_trampoline_lowered:
0x8: {  	[smem:$0x3FAE] =	sst s0  }
0x9: {  	[smem:$0x3FAF] =	sst s1  }
0xa: {  	[smem:$0x3FB0] =	sst s2  }
0xb: {  	[smem:$0x3FB1] =	sst s3  }
0xc: {  	[smem:$0x3FB2] =	sst s4  }
0xd: {  	[smem:$0x3FB3] =	sst s5  }
0xe: {  	[smem:$0x3FB4] =	sst s6  }
0xf: {  	[smem:$0x3FB5] =	sst s7  }
0x10: {  	[smem:$0x3FB6] =	sst s8  }
0x11: {  	[smem:$0x3FB7] =	sst s9;
	s0 =	simm.s32 @!p0 $0x0  }
0x12: {  	s1 =	sld [smem:$0x3F9D];
	s0 =	simm.s32 @p0 $0x1  }
0x13: {  	[smem:$0x3FB8] =	sst s0;
	s0 =	simm.s32 @!p1 $0x0  }
0x14: {  	s2 =	sld [smem:$0x3F9C];
	s0 =	simm.s32 @p1 $0x1  }
0x15: {  	[smem:$0x3FB9] =	sst s0;
	s0 =	simm.s32 @!p2 $0x0  }
0x16: {  	s3 =	sld [smem:$0x3FDB];
	s0 =	simm.s32 @p2 $0x1  }
0x17: {  	s4 =	simm.s32 $0x1BF5;
	[smem:$0x3FBB] =	sst s0  }
0x18: {  	s0 =	sld [smem:$0x3F9E];
	_ =	swait.ge [sflag:s4], $0x0  }
0x19: {  	s7 =	sld [smem:$0x3F9F]  }
0x1a: {  	s8 =	sadd.s32 $0xFFFFE003, lr  }
0x1b: {  	s9 =	sadd.s32 $0xFFFFFEF7, lr;
	s5 =	simm.s32 $0xFFFFFFFF;
	p2 =	slt.u32 s8, $0xFFFFF086  }
0x1c: {  	p1 =	slt.u32 s9, $0xF7A;
	s5 =	simm.s32 @!p2 $0x0  }
0x1d: {  	s5 =	simm.s32 @p1 $0x1;
	p0 =	seq.s32 s7, s2  }
0x1e: {  	s7 =	smul.u32 @!p0 $0xF7A, s2;
	p2 =	seq.s32 @!p0 s5, $0x0  }
0x1f: {  	s9 =	smul.u32 $0xF7A, s1;
	s8 =	simm.s32 @!p0 $0x1BF5;
	p2 =	por !p2, p0  }
0x20: {  	[sflag:s8] =	ssyncset.s32 @!p0 $0xFFFFF086;
	s6 =	sadd.s32 @!p0 s3, s7;
	s7 =	simm.s32 @!p0 $0x108  }
0x21: {  	s3 =	sadd.s32 s3, s9;
	s6 =	sadd.s32 @!p0 $0x88, s6;
	s7 =	simm.s32 @p2 $0x1082  }
0x22: {  	[simem:s7], [sflag:s8] =	dma.local @!p0 [hbm:s6], $0xF7A  }
0x23: {  	s9 =	sor.u32 $0xD0000000, s2;
	s6 =	simm.s32 $0x108;
	_ =	swait.ge @!p0 [sflag:s8], $0x0  }
0x24: {  	s3 =	sadd.s32 $0x88, s3;
	s6 =	simm.s32 @!p1 $0x1082;
	[sflag:s4] =	ssyncset.s32 $0xFFFFF086  }
0x25: {  	[simem:s6], [sflag:s4] =	dma.local [hbm:s3], $0xF7A  }
0x26: {  	[smem:$0x3F9F] =	sst s1;
	(tag) =	ssettag s2;
	_ =	strace s9  }
0x27: {  	s1 =	sld [smem:$0x3FAF]  }
0x28: {  	s2 =	sld [smem:$0x3FB0]  }
0x29: {  	s4 =	sld [smem:$0x3FB2]  }
0x2a: {  	p0 =	seq.s32 s5, $0x0;
	s5 =	sld [smem:$0x3FB3]  }
0x2b: {  	s6 =	sld [smem:$0x3FB4]  }
0x2c: {  	s7 =	sld [smem:$0x3FB5]  }
0x2d: {  	s3 =	simm.s32 $0x108;
	s8 =	sld [smem:$0x3FB6]  }
0x2e: {  	s3 =	simm.s32 @!p0 $0x1082;
	s9 =	sld [smem:$0x3FB7]  }
0x2f: {  	lr =	sadd.s32 s0, s3;
	s0 =	sld [smem:$0x3FAE]  }
0x30: {  	s3 =	sld [smem:$0x3FB1]  }
0x31: {  	[smem:$0x3FBA] =	sst s10  }
0x32: {  	s10 =	sld [smem:$0x3FB8];
	_ =	sdelay $0x3  }
0x33: {  	p0 =	seq.s32 s10, $0x1;
	s10 =	sld [smem:$0x3FBA];
	_ =	sdelay $0x3  }
0x34: {  	[smem:$0x3FBA] =	sst s10  }
0x35: {  	s10 =	sld [smem:$0x3FB9];
	_ =	sdelay $0x3  }
0x36: {  	p1 =	seq.s32 s10, $0x1;
	s10 =	sld [smem:$0x3FBA];
	_ =	sdelay $0x3  }
0x37: {  	[smem:$0x3FBA] =	sst s10  }
0x38: {  	s10 =	sld [smem:$0x3FBB]  }
0x39: {  	_ = 	snop;
	(pc) =	sbr.ind lr, $3  }
0x3a: {  	_ = 	snop  }
0x3b: {  	_ = 	snop  }
0x3c: {  	p2 =	seq.s32 s10, $0x1;
	s10 =	sld [smem:$0x3FBA]  }
0x3d: {  	_ =	shalt  }
0x3e: {  	_ =	shalt  }
0x3f: {  	_ =	shalt  }
0x40: {  	_ =	shalt  }
0x41: {  	_ =	shalt  }
0x42: {  	_ =	shalt  }
0x43: {  	_ =	shalt  }
0x44: {  	_ =	shalt  }
0x45: {  	_ =	shalt  }
0x46: {  	_ =	shalt  }
0x47: {  	_ =	shalt  }
0x48: {  	_ =	shalt  }
0x49: {  	_ =	shalt  }
0x4a: {  	_ =	shalt  }
0x4b: {  	_ =	shalt  }
0x4c: {  	_ =	shalt  }
0x4d: {  	_ =	shalt  }
0x4e: {  	_ =	shalt  }
0x4f: {  	_ =	shalt  }
0x50: {  	_ =	shalt  }
0x51: {  	_ =	shalt  }
0x52: {  	_ =	shalt  }
0x53: {  	_ =	shalt  }
0x54: {  	_ =	shalt  }
0x55: {  	_ =	shalt  }
0x56: {  	_ =	shalt  }
0x57: {  	_ =	shalt  }
0x58: {  	_ =	shalt  }
0x59: {  	_ =	shalt  }
0x5a: {  	_ =	shalt  }
0x5b: {  	_ =	shalt  }
0x5c: {  	_ =	shalt  }
0x5d: {  	_ =	shalt  }
0x5e: {  	_ =	shalt  }
0x5f: {  	_ =	shalt  }
0x60: {  	_ =	shalt  }
0x61: {  	_ =	shalt  }
0x62: {  	_ =	shalt  }
0x63: {  	_ =	shalt  }
0x64: {  	_ =	shalt  }
0x65: {  	_ =	shalt  }
0x66: {  	_ =	shalt  }
0x67: {  	_ =	shalt  }
0x68: {  	_ =	shalt  }
0x69: {  	_ =	shalt  }
0x6a: {  	_ =	shalt  }
0x6b: {  	_ =	shalt  }
0x6c: {  	_ =	shalt  }
0x6d: {  	_ =	shalt  }
0x6e: {  	_ =	shalt  }
0x6f: {  	_ =	shalt  }
0x70: {  	_ =	shalt  }
0x71: {  	_ =	shalt  }
0x72: {  	_ =	shalt  }
0x73: {  	_ =	shalt  }
0x74: {  	_ =	shalt  }
0x75: {  	_ =	shalt  }
0x76: {  	_ =	shalt  }
0x77: {  	_ =	shalt  }
0x78: {  	_ =	shalt  }
0x79: {  	_ =	shalt  }
0x7a: {  	_ =	shalt  }
0x7b: {  	_ =	shalt  }
0x7c: {  	_ =	shalt  }
0x7d: {  	_ =	shalt  }
0x7e: {  	_ =	shalt  }
0x7f: {  	_ =	shalt  }
0x80: {  	_ =	shalt  }
0x81: {  	_ =	shalt  }
0x82: {  	_ =	shalt  }
0x83: {  	_ =	shalt  }
0x84: {  	_ =	shalt  }
0x85: {  	_ =	shalt  }
0x86: {  	_ =	shalt  }
0x87: {  	_ =	shalt  }
.Lfunc_end0:
.L_simem_size_0:
called_computation_lowered:
.L_overlay_start_0:
0x88: {  	s2 =	sld [smem:$0x3FD9]  }
0x89: {  	s3 =	sld [smem:$0x3FFE];
	_ =	sdelay $0x1  }
0x8a: {  	s1 =	srdreg.scid  }
0x8b: {  	s0 =	sand.u32 $0x1, s1  }
0x8c: {  	s17 =	sshll.u32 s0, $0xA;
	s2 =	sadd.s32 s3, s2  }
0x8d: {  	s2 =	sadd.s32 s2, s17  }
0x8e: {  	[smem:$0x3FC6] =	sst s2  }
0x8f: {  	_ = 	snop  }
0x90: {  	s2 =	sld [smem:$0x3FC9];
	(tm) =	ssettm $0x1  }
0x91: {  	s18 =	sld [smem:$0x3FFB];
	_ =	sdelay $0x3  }
0x92: {  	_ =	strace s18  }
0x93: {  	s3 =	sld [smem:$0x3FFC];
	_ =	sdelay $0x3  }
0x94: {  	_ =	strace s3  }
0x95: {  	s3 =	sld [smem:$0x3FFD];
	_ =	sdelay $0x3  }
0x96: {  	_ =	strace s3  }
0x97: {  	_ =	strace $0x8FFFFFFF  }
0x98: {  	s19 =	sld [smem:$0x3FDB];
	_ =	sdelay $0x1  }
0x99: {  	s4 =	simm.s32 $_scs_section_size  }
0x9a: {  	s5 =	simm.s32 $_size__tile_overlayer_lowered;
	s6 =	simm.s32 $_tile_overlayer_lowered  }
0x9b: {  	s22 =	simm.s32 $0x1BFF;
	s21 =	sshll.u32 s6, $0x1;
	s3 =	sadd.s32 s4, s19  }
0x9c: {  	s7 =	simm.s32 $0x0;
	s20 =	sshll.u32 s5, $0x1;
	s5 =	sadd.s32 s21, s3  }
0x9d: {  	[timem:s7], [sflag:s22] =	dma.local [hbm:s5], s20  }
0x9e: {  	_ =	swait.ge [sflag:s22], s20  }
0x9f: {  	s4 =	ssub.s32 $0x0, s20;
	[sflag:s22] =	ssyncset.done $0x0  }
0xa0: {  	[sflag:s22] =	ssyncadd.s32 s4;
	_ =	sdelay $0x1  }
0xa1: {  	s23 =	simm.s32 $0x1B8B  }
0xa2: {  	_ =	swait.ge [sflag:s23], $0x1  }
0xa3: {  	[sflag:s23] =	ssyncset.done $0x0  }
0xa4: {  	s25 =	simm.s32 $0x1B8E;
	s24 =	sld [smem:$0x3FFE];
	[sflag:s23] =	ssyncadd.s32 $0xFFFFFFFF  }
0xa5: {  	s26 =	simm.s32 $execute0_lowered;
	[smem:$0x3FD2] =	sst s25  }
0xa6: {  	s5 =	sshll.u32 s26, $0x1;
	_ =	strace $0x80000046;
	[dreg:$0x1] =	wrdreg $0xFFFFFFFF  }
0xa7: {  	s28 =	simm.s32 $_size_execute0_lowered;
	s3 =	sadd.s32 s3, s5;
	[dreg:$0x0] =	wrdreg $0x0  }
0xa8: {  	s5 =	sshll.u32 s28, $0x1;
	[dreg:$0x2] =	wrdreg s3  }
0xa9: {  	[dreg:$0x3] =	wrdreg s5  }
0xaa: {  	[dreg:$0x4] =	wrdreg $0xC0  }
0xab: {  	_ =	task [dreg:s7], $0x5FFFF  }
0xac: {  	[dreg:$0x1] =	wrdreg $0xFFFFFFFF  }
0xad: {  	[dreg:$0x0] =	wrdreg $0x60  }
0xae: {  	[dreg:$0x2] =	wrdreg s2  }
0xaf: {  	[dreg:$0x3] =	wrdreg s24  }
0xb0: {  	[dreg:$0x4] =	wrdreg $0x9  }
0xb1: {  	_ =	task.clear_ibuf [dreg:s7], $0x5FFFF;
	_ =	strace $0x90000046  }
0xb2: {  	s29 =	simm.s32 $0x9;
	_ =	strace $0x80000048  }
0xb3: {  	_ =	swait.ge [sflag:s29], $0x1  }
0xb4: {  	[sflag:s29] =	ssyncadd.s32 $0xFFFFFFFF  }
0xb5: {  	_ =	strace $0x90000048  }
0xb6: {  	_ =	sfence  }
0xb7: {  	s30 =	sld [smem:$0x0];
	_ =	sdelay $0x2  }
0xb8: {  	s31 =	sshll.u32 s1, $0xD;
	s1 =	sshrl.u32 s1, $0x2  }
0xb9: {  	s3 =	sand.u32 $0x4000, s31;
	s1 =	sadd.s32 s1, s30  }
0xba: {  	s0 =	sor.u32 s3, s0;
	s1 =	sshll.u32 s1, $0x11  }
0xbb: {  	s0 =	sor.u32 s1, s0  }
0xbc: {  	s0 =	sadd.s32 $0x8F2B, s0  }
0xbd: {  	[sflag:s0] =	ssyncadd.remote.s32 $0x1  }
0xbe: {  	_ =	sfence.sel $0xFFFF  }
0xbf: {  	[dreg:$0x0] =	wrdreg $0xFFFFFFFF;
	(pc) =	sbr.abs _section_cstart, $3  }
0xc0: {  	[dreg:$0x1] =	wrdreg $0xFFFFFFFF  }
0xc1: {  	_ =	task.clear_ibuf [dreg:s7], $0x2FFFF;
	_ =	strace $0x9FFFFFFF  }
0xc2: {  	(tm) =	ssettm $0x7FFFFFFF  }
0xc3: {  	_ =	shalt  }
tec
execute0_lowered:
.L_overlay_start_1:
0x0: {  	(tag) =	ssettag $0x1  }
0x1: {  	s0 =	rddreg [dreg:$0x0]  }
0x2: {  	s1 =	rddreg [dreg:$0x1]  }
0x3: {  	s3 =	srdreg.scid;
	s2 =	simm.s32 $0x0;
	s4 =	stileid.u32  }
0x4: {  	s28 =	simm.s32 $0x1000;
	s29 =	simm.s32 $0x2000;
	s30 =	simm.s32 $0x400  }
0x5: {  	s31 =	simm.s32 $0x800;
	s3 =	sand.u32 $0x1, s3;
	[smem:$0x7FF] =	sst s2  }
0x6: {  	s4 =	sshll.u32 s4, $0x7;
	s20 =	sadd.s32 $0x400, s1;
	s22 =	sadd.s32 $0x159CD, s1  }
0x7: {  	s23 =	sadd.s32 $0x2E06E, s1;
	s24 =	sadd.s32 $0x18AA1, s1;
	s25 =	sadd.s32 $0x34D4, s1  }
0x8: {  	s26 =	sadd.s32 $0x1BB75, s1;
	s10 =	sadd.s32 $0x65A8, s1;
	s11 =	sadd.s32 $0x1EC49, s1  }
0x9: {  	s12 =	sadd.s32 $0x967C, s1;
	_ =	strace $0x80000047;
	[dreg:$0x3] =	wrdreg s20  }
0xa: {  	s13 =	sadd.s32 $0x21D1D, s1;
	s14 =	sadd.s32 $0xC750, s1;
	[dreg:$0x5] =	wrdreg s22  }
0xb: {  	s15 =	sadd.s32 $0x24DF1, s1;
	s16 =	sadd.s32 $0xF824, s1;
	[dreg:$0x6] =	wrdreg s23  }
0xc: {  	s17 =	sadd.s32 $0x27EC5, s1;
	s18 =	sadd.s32 $0x128F8, s1;
	[dreg:$0x7] =	wrdreg s24  }
0xd: {  	s19 =	sadd.s32 $0x2AF99, s1;
	s5 =	sshll.u32 s3, $0x6;
	[dreg:$0x8] =	wrdreg s25  }
0xe: {  	s3 =	ssub.s32 $0x2, s3;
	[dreg:$0x9] =	wrdreg s26;
	s23 =	simm.s32 $0x3  }
0xf: {  	s24 =	simm.s32 $0x200;
	s26 =	simm.s32 $0xA00;
	s25 =	simm.s32 $0xE00  }
0x10: {  	s4 =	sor.u32 s5, s4;
	s6 =	sshrl.u32 s3, $0x1;
	s5 =	simm.s32 $0x2  }
0x11: {  	s21 =	sadd.s32 s4, s1;
	s3 =	ssub.s32 s3, s6;
	s0 =	sadd.s32 s0, s4  }
0x12: {  	s1 =	simm.s32 $0x600;
	s4 =	simm.s32 $0x4000;
	s6 =	simm.s32 $0x0  }
0x13: {  	[dreg:$0x4] =	wrdreg s0;
	s20 =	sadd.s32 $0x31200, s21;
	s21 =	sadd.s32 $0x35200, s21  }
0x14: {  	s22 =	smax.u32 s3, $0x1;
	s0 =	simm.s32 $0xC00;
	s3 =	simm.s32 $0x1  }
.LBB2_1:
0x15: {  	s7 =	rddreg [dreg:$0x4]  }
0x16: {  	[tilespmem:s2], [sflag:$0x3] =	stream.linear.gather [hbm4b:s7+s2], $0x200, $0x38;
	[tilespmem:$0x3000] =	vst v63  }
0x17: {  	_ =	swait.ge [sflag:s23], $0x200  }
0x18: {  	[sflag:s23] =	ssyncset.done $0x0  }
0x19: {  	s8 =	simm.s32 $0x1E00;
	s9 =	rddreg [dreg:$0x5];
	[sflag:s23] =	ssyncadd.s32 $0xFFFFFE00  }
0x1a: {  	[tilespmem:s8], [sflag:$0x1] =	stream.indirect.gather [hbm4b:s9+s24], $0x1, s2, s24, $0xb8;
	[tilespmem:$0x3000] =	vst v63  }
0x1b: {  	s7 =	simm.s32 $0x0;
	s8 =	rddreg [dreg:$0x6];
	s9 =	simm.s32 $0x2E00  }
0x1c: {  	[tilespmem:s9], [sflag:$0x2] =	stream.indirect.gather [hbm4b:s8+s24], $0x1, s2, s24, $0xb8;
	[tilespmem:$0x3000] =	vst v63  }
0x1d: {  	s8 =	simm.s32 $0x40;
	v0 =	vld [tilespmem:s7+$0x0]  }
.LBB2_2:
0x1e: {  	p0 =	sne.s32 s8, $0x7C0  }
.Ltmp0:
0x1f: {  	_ = 	snop;
	(pc) =	sbr.rel @p0 .LBB2_2-.Ltmp0, $3  }
0x20: {  	_ =	sdelay $0x1  }
0x21: {  	s9 =	sshra.s32 s8, $0x2;
	s8 =	sadd.s32 $0x40, s8;
	v1 =	vadd.s32 $0x1, v0  }
0x22: {  	v0 =	vld [tilespmem:s9+$0x0];
	[tilespmem:s7+$0x200] =	vst v1;
	s7 =	smov.u32 s9  }
0x23: {  	_ =	sdelay $0x3  }
0x24: {  	v0 =	vadd.s32 $0x1, v0  }
0x25: {  	s8 =	rddreg [dreg:$0x3];
	[tilespmem:s7+$0x200] =	vst v0  }
0x26: {  	[tilespmem:s28], [sflag:$0x1] =	stream.indirect.gather [hbm4b:s8+s24], $0x1, s24, s24, $0xb8;
	[tilespmem:$0x3000] =	vst v63  }
0x27: {  	s9 =	rddreg [dreg:$0x7];
	s7 =	simm.s32 $0x0  }
0x28: {  	[tilespmem:s29], [sflag:$0x2] =	stream.indirect.gather [hbm4b:s9+s24], $0x1, s24, s24, $0xb8;
	[tilespmem:$0x3000] =	vst v63  }
0x29: {  	s8 =	simm.s32 $0x40;
	v0 =	vld [tilespmem:s7+$0x0]  }
.LBB2_4:
0x2a: {  	p0 =	sne.s32 s8, $0x7C0  }
.Ltmp1:
0x2b: {  	_ = 	snop;
	(pc) =	sbr.rel @p0 .LBB2_4-.Ltmp1, $3  }
0x2c: {  	_ =	sdelay $0x1  }
0x2d: {  	s9 =	sshra.s32 s8, $0x2;
	s8 =	sadd.s32 $0x40, s8;
	v1 =	vadd.s32 $0x2, v0  }
0x2e: {  	v0 =	vld [tilespmem:s9+$0x0];
	[tilespmem:s7+$0x400] =	vst v1;
	s7 =	smov.u32 s9  }
0x2f: {  	_ =	sdelay $0x3  }
0x30: {  	v0 =	vadd.s32 $0x2, v0  }
0x31: {  	s9 =	rddreg [dreg:$0x8];
	s8 =	simm.s32 $0x1200;
	[tilespmem:s7+$0x400] =	vst v0  }
0x32: {  	[tilespmem:s8], [sflag:$0x1] =	stream.indirect.gather [hbm4b:s9+s24], $0x1, s30, s24, $0xb8;
	[tilespmem:$0x3000] =	vst v63  }
0x33: {  	s7 =	simm.s32 $0x0;
	s8 =	rddreg [dreg:$0x9];
	s9 =	simm.s32 $0x2200  }
0x34: {  	[tilespmem:s9], [sflag:$0x2] =	stream.indirect.gather [hbm4b:s8+s24], $0x1, s30, s24, $0xb8;
	[tilespmem:$0x3000] =	vst v63  }
0x35: {  	s8 =	simm.s32 $0x40;
	v0 =	vld [tilespmem:s7+$0x0]  }
.LBB2_6:
0x36: {  	p0 =	sne.s32 s8, $0x7C0  }
.Ltmp2:
0x37: {  	_ = 	snop;
	(pc) =	sbr.rel @p0 .LBB2_6-.Ltmp2, $3  }
0x38: {  	_ =	sdelay $0x1  }
0x39: {  	s9 =	sshra.s32 s8, $0x2;
	s8 =	sadd.s32 $0x40, s8;
	v1 =	vadd.s32 $0x3, v0  }
0x3a: {  	v0 =	vld [tilespmem:s9+$0x0];
	[tilespmem:s7+$0x600] =	vst v1;
	s7 =	smov.u32 s9  }
0x3b: {  	_ =	sdelay $0x3  }
0x3c: {  	v0 =	vadd.s32 $0x3, v0  }
0x3d: {  	s8 =	simm.s32 $0x1400;
	[tilespmem:s7+$0x600] =	vst v0  }
0x3e: {  	[tilespmem:s8], [sflag:$0x1] =	stream.indirect.gather [hbm4b:s10+s24], $0x1, s1, s24, $0xb8;
	[tilespmem:$0x3000] =	vst v63  }
0x3f: {  	s9 =	simm.s32 $0x2400;
	s7 =	simm.s32 $0x0  }
0x40: {  	[tilespmem:s9], [sflag:$0x2] =	stream.indirect.gather [hbm4b:s11+s24], $0x1, s1, s24, $0xb8;
	[tilespmem:$0x3000] =	vst v63  }
0x41: {  	s8 =	simm.s32 $0x40;
	v0 =	vld [tilespmem:s7+$0x0]  }
.LBB2_8:
0x42: {  	p0 =	sne.s32 s8, $0x7C0  }
.Ltmp3:
0x43: {  	_ = 	snop;
	(pc) =	sbr.rel @p0 .LBB2_8-.Ltmp3, $3  }
0x44: {  	_ =	sdelay $0x1  }
0x45: {  	s9 =	sshra.s32 s8, $0x2;
	s8 =	sadd.s32 $0x40, s8;
	v1 =	vadd.s32 $0x4, v0  }
0x46: {  	v0 =	vld [tilespmem:s9+$0x0];
	[tilespmem:s7+$0x800] =	vst v1;
	s7 =	smov.u32 s9  }
0x47: {  	_ =	sdelay $0x3  }
0x48: {  	v0 =	vadd.s32 $0x4, v0  }
0x49: {  	s8 =	simm.s32 $0x1600;
	[tilespmem:s7+$0x800] =	vst v0  }
0x4a: {  	[tilespmem:s8], [sflag:$0x1] =	stream.indirect.gather [hbm4b:s12+s24], $0x1, s31, s24, $0xb8;
	[tilespmem:$0x3000] =	vst v63  }
0x4b: {  	s9 =	simm.s32 $0x2600;
	s7 =	simm.s32 $0x0  }
0x4c: {  	[tilespmem:s9], [sflag:$0x2] =	stream.indirect.gather [hbm4b:s13+s24], $0x1, s31, s24, $0xb8;
	[tilespmem:$0x3000] =	vst v63  }
0x4d: {  	s8 =	simm.s32 $0x40;
	v0 =	vld [tilespmem:s7+$0x0]  }
.LBB2_10:
0x4e: {  	p0 =	sne.s32 s8, $0x7C0  }
.Ltmp4:
0x4f: {  	_ = 	snop;
	(pc) =	sbr.rel @p0 .LBB2_10-.Ltmp4, $3  }
0x50: {  	_ =	sdelay $0x1  }
0x51: {  	s9 =	sshra.s32 s8, $0x2;
	s8 =	sadd.s32 $0x40, s8;
	v1 =	vadd.s32 $0x5, v0  }
0x52: {  	v0 =	vld [tilespmem:s9+$0x0];
	[tilespmem:s7+$0xA00] =	vst v1;
	s7 =	smov.u32 s9  }
0x53: {  	_ =	sdelay $0x3  }
0x54: {  	v0 =	vadd.s32 $0x5, v0  }
0x55: {  	s8 =	simm.s32 $0x1800;
	[tilespmem:s7+$0xA00] =	vst v0  }
0x56: {  	[tilespmem:s8], [sflag:$0x1] =	stream.indirect.gather [hbm4b:s14+s24], $0x1, s26, s24, $0xb8;
	[tilespmem:$0x3000] =	vst v63  }
0x57: {  	s9 =	simm.s32 $0x2800;
	s7 =	simm.s32 $0x0  }
0x58: {  	[tilespmem:s9], [sflag:$0x2] =	stream.indirect.gather [hbm4b:s15+s24], $0x1, s26, s24, $0xb8;
	[tilespmem:$0x3000] =	vst v63  }
0x59: {  	s8 =	simm.s32 $0x40;
	v0 =	vld [tilespmem:s7+$0x0]  }
.LBB2_12:
0x5a: {  	p0 =	sne.s32 s8, $0x7C0  }
.Ltmp5:
0x5b: {  	_ = 	snop;
	(pc) =	sbr.rel @p0 .LBB2_12-.Ltmp5, $3  }
0x5c: {  	_ =	sdelay $0x1  }
0x5d: {  	s9 =	sshra.s32 s8, $0x2;
	s8 =	sadd.s32 $0x40, s8;
	v1 =	vadd.s32 $0x6, v0  }
0x5e: {  	v0 =	vld [tilespmem:s9+$0x0];
	[tilespmem:s7+$0xC00] =	vst v1;
	s7 =	smov.u32 s9  }
0x5f: {  	_ =	sdelay $0x3  }
0x60: {  	v0 =	vadd.s32 $0x6, v0  }
0x61: {  	s8 =	simm.s32 $0x1A00;
	[tilespmem:s7+$0xC00] =	vst v0  }
0x62: {  	[tilespmem:s8], [sflag:$0x1] =	stream.indirect.gather [hbm4b:s16+s24], $0x1, s0, s24, $0xb8;
	[tilespmem:$0x3000] =	vst v63  }
0x63: {  	s9 =	simm.s32 $0x2A00;
	s7 =	simm.s32 $0x0  }
0x64: {  	[tilespmem:s9], [sflag:$0x2] =	stream.indirect.gather [hbm4b:s17+s24], $0x1, s0, s24, $0xb8;
	[tilespmem:$0x3000] =	vst v63  }
0x65: {  	s8 =	simm.s32 $0x40;
	v0 =	vld [tilespmem:s7+$0x0]  }
.LBB2_14:
0x66: {  	p0 =	sne.s32 s8, $0x7C0  }
.Ltmp6:
0x67: {  	_ = 	snop;
	(pc) =	sbr.rel @p0 .LBB2_14-.Ltmp6, $3  }
0x68: {  	_ =	sdelay $0x1  }
0x69: {  	s9 =	sshra.s32 s8, $0x2;
	s8 =	sadd.s32 $0x40, s8;
	v1 =	vadd.s32 $0x7, v0  }
0x6a: {  	v0 =	vld [tilespmem:s9+$0x0];
	[tilespmem:s7+$0xE00] =	vst v1;
	s7 =	smov.u32 s9  }
0x6b: {  	_ =	sdelay $0x3  }
0x6c: {  	v0 =	vadd.s32 $0x7, v0  }
0x6d: {  	s8 =	simm.s32 $0x1C00;
	[tilespmem:s7+$0xE00] =	vst v0  }
0x6e: {  	[tilespmem:s8], [sflag:$0x1] =	stream.indirect.gather [hbm4b:s18+s24], $0x1, s25, s24, $0xb8;
	[tilespmem:$0x3000] =	vst v63  }
0x6f: {  	s9 =	simm.s32 $0x2C00  }
0x70: {  	[tilespmem:s9], [sflag:$0x2] =	stream.indirect.gather [hbm4b:s19+s24], $0x1, s25, s24, $0xb8;
	[tilespmem:$0x3000] =	vst v63  }
0x71: {  	_ =	swait.ge [sflag:s3], $0x1000  }
0x72: {  	[sflag:s3] =	ssyncset.done $0x0  }
0x73: {  	[sflag:s3] =	ssyncadd.s32 $0xFFFFF000  }
0x74: {  	[hbm4b:s20+s24] =	stream.strided.scatter [tilespmem:s28], [sflag:$0x3], $0x1000, s4, s24, $0x38;
	[tilespmem:$0x3000] =	vst v63  }
0x75: {  	_ =	swait.ge [sflag:s23], $0x1000  }
0x76: {  	[sflag:s23] =	ssyncset.done $0x0  }
0x77: {  	[sflag:s23] =	ssyncadd.s32 $0xFFFFF000  }
0x78: {  	s6 =	sadd.s32 $0x1, s6;
	_ =	swait.ge [sflag:s5], $0x1000  }
0x79: {  	p0 =	sne.s32 s6, s22;
	[sflag:s5] =	ssyncset.done $0x0  }
.Ltmp7:
0x7a: {  	[sflag:s5] =	ssyncadd.s32 $0xFFFFF000;
	(pc) =	sbr.rel @p0 .LBB2_1-.Ltmp7, $4  }
0x7b: {  	[hbm4b:s21+s24] =	stream.strided.scatter [tilespmem:s29], [sflag:$0x3], $0x1000, s4, s24, $0x38;
	[tilespmem:$0x3000] =	vst v63  }
0x7c: {  	_ =	swait.ge [sflag:s23], $0x1000  }
0x7d: {  	[sflag:s23] =	ssyncset.done $0x0  }
0x7e: {  	[sflag:s23] =	ssyncadd.s32 $0xFFFFF000  }
0x7f: {  	_ =	sfence.sel $0x180000  }
0x80: {  	[bflag:$0x0] =	sbarrier.arrive $0xFFFF  }
0x81: {  	_ =	strace $0x90000047  }
0x82: {  	s0 =	stileid.u32;
	[bflag:$0x2] =	sbarrier.arrive $0xFFFF  }
0x83: {  	p0 =	sne.s32 s0, $0x0;
	s0 =	rddreg [dreg:$0x2]  }
0x84: {  	s0 =	sadd.s32 @!p0 $0x100000, s0  }
0x85: {  	[sflag:s0] =	ssyncadd.tile.s32 @!p0 $0x1;
	_ =	shalt  }
.Lfunc_end2:
_tile_overlayer_lowered:
.L_overlay_start_2:
0x86: {  	(tag) =	ssettag $0x2  }
0x87: {  	s0 =	rddreg [dreg:$0x0];
	s2 =	stileid.u32  }
0x88: {  	s1 =	rddreg [dreg:$0x1];
	p0 =	sne.s32 s2, $0x0  }
0x89: {  	s3 =	rddreg [dreg:$0x2];
	[bflag:$0x3] =	sbarrier.arrive $0xFFFF;
	s2 =	simm.s32 @!p0 $0x1C03  }
0x8a: {  	[timem:s3], [sflag:s2] =	dma.local @!p0 [hbm:s0], s1  }
0x8b: {  	s0 =	simm.s32 @!p0 $0x3  }
0x8c: {  	_ =	swait.ge @!p0 [sflag:s0], s1  }
0x8d: {  	s1 =	ssub.s32 @!p0 $0x0, s1;
	[sflag:s0] =	ssyncset.done @!p0 $0x0  }
0x8e: {  	[sflag:s0] =	ssyncadd.s32 @!p0 s1  }
0x8f: {  	[bflag:$0x3] =	sbarrier.arrive $0xFFFF  }
0x90: {  	_ =	shalt  }

</sc_bundles>
